<compile_context>
chip_gen: v7x
topology: tpu7x:2x2x1
jax: 0.10.2.dev20260603
libtpu: 0.0.44.dev20260713+nightly
codegen_flags: <defaults>
</compile_context>

<pallas_src>
import functools

import jax
import jax.numpy as jnp
from jax import lax
from jax.experimental import pallas as pl
from jax.experimental.pallas import tpu as pltpu
from jax.experimental.pallas import tpu_sc as plsc

N_NODES = 10000
D = 128
NUM_GRAPHS = 64
NEG_SLOPE = 0.01

ROW_TILE = 1000
CH = 80
SCH = 25
NW = 32
ACC_ROWS = 10240


def _leaky(x):
    return jnp.where(x >= 0, x, NEG_SLOPE * x)



def _fc1_body(x_ref, w_ref, b_ref, h_ref, r_ref):
    h = x_ref[...]
    W = w_ref[...]
    B = b_ref[...]
    n = W.shape[0]
    for l in range(n):
        h = jnp.dot(h, W[l], preferred_element_type=jnp.float32) + B[l:l + 1, :]
        if l < n - 1:
            h = jnp.maximum(h, 0.0)
    h = _leaky(h)
    h_ref[...] = h
    r_ref[...] = jnp.maximum(h, 0.0)


def _fc1(x, fc1_W, fc1_b):
    n_tiles = x.shape[0] // ROW_TILE
    return pl.pallas_call(
        _fc1_body,
        grid=(n_tiles,),
        in_specs=[
            pl.BlockSpec((ROW_TILE, D), lambda i: (i, 0)),
            pl.BlockSpec(fc1_W.shape, lambda i: (0, 0, 0)),
            pl.BlockSpec(fc1_b.shape, lambda i: (0, 0)),
        ],
        out_specs=[
            pl.BlockSpec((ROW_TILE, D), lambda i: (i, 0)),
            pl.BlockSpec((ROW_TILE, D), lambda i: (i, 0)),
        ],
        out_shape=[
            jax.ShapeDtypeStruct(x.shape, jnp.float32),
            jax.ShapeDtypeStruct(x.shape, jnp.float32),
        ],
    )(x, fc1_W, fc1_b)



def _sc_agg(r, src3d, dst3d):
    nsup = src3d.shape[0] // NW
    zc = ACC_ROWS // 16 // CH
    orows = ACC_ROWS // 16
    mesh = plsc.VectorSubcoreMesh(core_axis_name="c", subcore_axis_name="s")

    @functools.partial(
        pl.kernel,
        mesh=mesh,
        out_type=jax.ShapeDtypeStruct((2, ACC_ROWS, D), jnp.float32),
        scratch_types=[
            pltpu.VMEM((SCH, CH), jnp.int32),
            pltpu.VMEM((SCH, CH), jnp.int32),
            pltpu.VMEM((CH, D), jnp.float32),
            pltpu.VMEM((CH, D), jnp.float32),
            pltpu.VMEM((CH, D), jnp.float32),
            pltpu.VMEM((CH, D), jnp.float32),
            pltpu.VMEM_SHARED((ACC_ROWS, D), jnp.float32),
            pltpu.SemaphoreType.DMA,
            pltpu.SemaphoreType.DMA,
            pltpu.SemaphoreType.DMA,
            pltpu.SemaphoreType.DMA,
            pltpu.SemaphoreType.DMA,
            pltpu.SemaphoreType.DMA,
            pltpu.SemaphoreType.DMA,
            pltpu.SemaphoreType.DMA,
        ],
    )
    def k(r_hbm, src_hbm, dst_hbm, out_hbm, src_v, dst_v, rows0, rows1,
          rows2, rows3, acc_sh, sem0, sem1, sem2, sem3, ssem0, ssem1,
          ssem2, ssem3):
        cid = lax.axis_index("c")
        sid = lax.axis_index("s")
        wid = cid * 16 + sid
        rows = (rows0, rows1, rows2, rows3)
        sems = (sem0, sem1, sem2, sem3)
        ssems = (ssem0, ssem1, ssem2, ssem3)

        @pl.loop(0, CH)
        def _(rr):
            @pl.loop(0, D, step=16)
            def _(cc):
                rows0.at[pl.ds(rr, 1), pl.ds(cc, 16)][...] = jnp.zeros(
                    (1, 16), jnp.float32)

        for kk in range(zc):
            pltpu.async_copy(rows0,
                             acc_sh.at[pl.ds(sid * (zc * CH) + kk * CH, CH)],
                             sems[kk % 4])
        for kk in range(zc):
            pltpu.make_async_copy(
                rows0, acc_sh.at[pl.ds(sid * (zc * CH) + kk * CH, CH)],
                sems[kk % 4]).wait()

        plsc.subcore_barrier()

        @pl.loop(0, nsup)
        def _(s):
            pltpu.sync_copy(src_hbm.at[wid * nsup + s], src_v)
            pltpu.sync_copy(dst_hbm.at[wid * nsup + s], dst_v)
            for p in range(3):
                pltpu.async_copy(r_hbm.at[src_v.at[p]], rows[p], sems[p])

            @pl.loop(0, SCH, step=4)
            def _(c):
                for kk in range(4):
                    slot = kk
                    pref = (kk + 3) % 4

                    def blk(kk=kk, slot=slot, pref=pref):
                        @pl.when(c + kk + 3 < SCH)
                        def _():
                            def w():
                                pltpu.make_async_copy(
                                    rows[pref],
                                    acc_sh.at[dst_v.at[c + kk - 1]],
                                    ssems[pref]).wait()

                            if kk == 0:
                                pl.when(c >= 1)(w)
                            else:
                                w()
                            pltpu.async_copy(
                                r_hbm.at[src_v.at[c + kk + 3]],
                                rows[pref], sems[pref])

                        pltpu.make_async_copy(r_hbm.at[src_v.at[c + kk]],
                                              rows[slot], sems[slot]).wait()
                        pltpu.async_copy(rows[slot],
                                         acc_sh.at[dst_v.at[c + kk]],
                                         ssems[slot], add=True)

                    if kk == 0:
                        blk()
                    else:
                        pl.when(c + kk < SCH)(blk)

            for t in range(4):
                m = SCH - 4 + t
                pltpu.make_async_copy(rows[m % 4],
                                      acc_sh.at[dst_v.at[m]],
                                      ssems[m % 4]).wait()

        plsc.subcore_barrier()

        pltpu.sync_copy(acc_sh.at[pl.ds(sid * orows, orows)],
                        out_hbm.at[cid, pl.ds(sid * orows, orows)])

    return k(r, src3d, dst3d)



def _post_body(lo_ref, hi_ref, seg_ref, h_ref, agg_ref, w1_ref, b1_ref,
               w2_ref, b2_ref, fw_ref, fb_ref, out_ref, pooled_ref):
    i = pl.program_id(0)
    z = h_ref[...] + agg_ref[0] + agg_ref[1]
    z = jnp.maximum(jnp.dot(z, w1_ref[...],
                            preferred_element_type=jnp.float32)
                    + b1_ref[...][0:1, :], 0.0)
    z = jnp.dot(z, w2_ref[...],
                preferred_element_type=jnp.float32) + b2_ref[...][0:1, :]
    z = _leaky(z)

    @pl.when(i == 0)
    def _():
        pooled_ref[...] = jnp.full((NUM_GRAPHS, D), -jnp.inf, jnp.float32)

    rowid = lax.broadcasted_iota(jnp.int32, (ROW_TILE, 1), 0) + i * ROW_TILE
    gid = lax.broadcasted_iota(jnp.int32, (NUM_GRAPHS, 1), 0)

    def body(g, pooled):
        m = (rowid >= seg_ref[g]) & (rowid < seg_ref[g + 1])
        loc = jnp.max(jnp.where(m, z, -jnp.inf), axis=0)
        return jnp.where(gid == g, jnp.maximum(pooled, loc[None, :]),
                         pooled)

    pooled_ref[...] = lax.fori_loop(lo_ref[i], hi_ref[i] + 1, body,
                                    pooled_ref[...])

    @pl.when(i == pl.num_programs(0) - 1)
    def _():
        p = pooled_ref[...]
        FW = fw_ref[...]
        FB = fb_ref[...]
        n = FW.shape[0]
        for l in range(n):
            p = jnp.dot(p, FW[l],
                        preferred_element_type=jnp.float32) + FB[l:l + 1, :]
            if l < n - 1:
                p = jnp.maximum(p, 0.0)
        out_ref[...] = p


def _post(h, agg, batch, nn_W1, nn_b1, nn_W2, nn_b2, fc2_W, fc2_b):
    n_tiles = h.shape[0] // ROW_TILE
    b1 = nn_b1.reshape(1, D)
    b2 = nn_b2.reshape(1, D)
    batch = batch.astype(jnp.int32)
    btiles = batch.reshape(n_tiles, ROW_TILE)
    lo = btiles[:, 0]
    hi = btiles[:, -1]
    seg = jnp.sum(batch[None, :] <
                  jnp.arange(NUM_GRAPHS + 1, dtype=jnp.int32)[:, None],
                  axis=1, dtype=jnp.int32)
    return pl.pallas_call(
        _post_body,
        grid=(n_tiles,),
        in_specs=[
            pl.BlockSpec(memory_space=pltpu.SMEM),
            pl.BlockSpec(memory_space=pltpu.SMEM),
            pl.BlockSpec(memory_space=pltpu.SMEM),
            pl.BlockSpec((ROW_TILE, D), lambda i: (i, 0)),
            pl.BlockSpec((2, ROW_TILE, D), lambda i: (0, i, 0)),
            pl.BlockSpec((D, D), lambda i: (0, 0)),
            pl.BlockSpec((1, D), lambda i: (0, 0)),
            pl.BlockSpec((D, D), lambda i: (0, 0)),
            pl.BlockSpec((1, D), lambda i: (0, 0)),
            pl.BlockSpec(fc2_W.shape, lambda i: (0, 0, 0)),
            pl.BlockSpec(fc2_b.shape, lambda i: (0, 0)),
        ],
        out_specs=pl.BlockSpec((NUM_GRAPHS, D), lambda i: (0, 0)),
        out_shape=jax.ShapeDtypeStruct((NUM_GRAPHS, D), jnp.float32),
        scratch_shapes=[pltpu.VMEM((NUM_GRAPHS, D), jnp.float32)],
    )(lo, hi, seg, h, agg, nn_W1, b1, nn_W2, b2, fc2_W, fc2_b)



def kernel(x, edge_index, batch, fc1_W, fc1_b, nn_W1, nn_b1, nn_W2, nn_b2,
           fc2_W, fc2_b):
    E = edge_index.shape[1]
    epw = -(-E // (NW * SCH * CH)) * SCH * CH
    e_pad = epw * NW
    pad = e_pad - E

    src = edge_index[0].astype(jnp.int32)
    dst = edge_index[1].astype(jnp.int32)
    if pad:
        ar = jnp.arange(pad, dtype=jnp.int32)
        src = jnp.concatenate([src, (ar * 97) % N_NODES])
        dst = jnp.concatenate([dst, N_NODES + ar % (ACC_ROWS - N_NODES)])
    src3d = src.reshape(NW * (epw // (SCH * CH)), SCH, CH)
    dst3d = dst.reshape(NW * (epw // (SCH * CH)), SCH, CH)
    h, r = _fc1(x, fc1_W, fc1_b)
    agg = _sc_agg(r, src3d, dst3d)
    return _post(h, agg, batch, nn_W1, nn_b1, nn_W2, nn_b2, fc2_W, fc2_b)

# --- scband reference (transcript-rebuilt; emitter-appended) ---
"""Pipeline reference for scband-super-gin-62904091018061 (READ-ONLY COPY).

The authoritative reference and input builder live on the scoring server;
editing this copy changes nothing except your own understanding.
"""

import jax, jax.numpy as jnp
import numpy as np

N_NODES = 10000
N_EDGES = 320000
D = 128
NUM_GRAPHS = 64
MLP_LAYERS = 4

def setup_inputs(seed: int = 0) -> dict:
    key = jax.random.key(seed)
    ks = jax.random.split(key, 16)
    x = jax.random.normal(ks[0], (N_NODES, D), dtype=jnp.float32)
    edge_index = jax.random.randint(ks[1], (2, N_EDGES), 0, N_NODES, dtype=jnp.int64 if jax.config.jax_enable_x64 else jnp.int32)
    batch = jnp.sort(jax.random.randint(ks[2], (N_NODES,), 0, NUM_GRAPHS))
    s = 0.05
    # fc1: 4-layer MLP 128->128->128->128->128
    fc1_W = jax.random.normal(ks[3], (MLP_LAYERS, D, D), dtype=jnp.float32) * s
    fc1_b = jnp.zeros((MLP_LAYERS, D), dtype=jnp.float32)
    # GIN(E) conv internal mlp: Linear(128,128), ReLU, Linear(128,128)
    nn_W1 = jax.random.normal(ks[4], (D, D), dtype=jnp.float32) * s
    nn_b1 = jnp.zeros((D,), dtype=jnp.float32)
    nn_W2 = jax.random.normal(ks[5], (D, D), dtype=jnp.float32) * s
    nn_b2 = jnp.zeros((D,), dtype=jnp.float32)
    # fc2: 4-layer MLP 128->128->128->128->128
    fc2_W = jax.random.normal(ks[6], (MLP_LAYERS, D, D), dtype=jnp.float32) * s
    fc2_b = jnp.zeros((MLP_LAYERS, D), dtype=jnp.float32)
    return {"x": x, "edge_index": edge_index, "batch": batch,
            "fc1_W": fc1_W, "fc1_b": fc1_b,
            "nn_W1": nn_W1, "nn_b1": nn_b1, "nn_W2": nn_W2, "nn_b2": nn_b2,
            "fc2_W": fc2_W, "fc2_b": fc2_b}

def _mlp(x, Ws, bs):
    # PyG-style MLP: Linear -> act -> ... -> Linear (no act after last layer)
    n = Ws.shape[0]
    for i in range(n):
        x = x @ Ws[i] + bs[i]
        if i < n - 1:
            x = jax.nn.relu(x)
    return x

def reference(x, edge_index, batch, fc1_W, fc1_b, nn_W1, nn_b1, nn_W2, nn_b2, fc2_W, fc2_b):
    # fc1 MLP + LeakyReLU
    h = _mlp(x, fc1_W, fc1_b)
    h = jax.nn.leaky_relu(h, negative_slope=0.01)
    # GINEConv (edge_attr absent -> treated as 0): message = relu(x_j), sum-aggregate
    src = edge_index[0]
    dst = edge_index[1]
    msgs = jax.nn.relu(h[src])
    agg = jnp.zeros_like(h).at[dst].add(msgs)
    eps = 0.0
    z = (1.0 + eps) * h + agg
    z = jax.nn.relu(z @ nn_W1 + nn_b1) @ nn_W2 + nn_b2
    z = jax.nn.leaky_relu(z, negative_slope=0.01)
    # global_max_pool over graphs
    pooled = jax.ops.segment_max(z, batch, num_segments=NUM_GRAPHS)
    # fc2 MLP
    out = _mlp(pooled, fc2_W, fc2_b)
    return out

if __name__ == "__main__":
    import jax
    _d = setup_inputs()
    print(jax.jit(kernel)(*tuple(_d.values())))

</pallas_src>

<mosaic_0001>
#map = affine_map<(d0, d1) -> (0, 0)>
#map1 = affine_map<(d0, d1) -> (0, 0, 0)>
module attributes {stable_mosaic.version = 14 : i64} {
  func.func @k(%arg0: i32, %arg1: i32, %arg2: memref<10000x128xf32, #tpu.memory_space<hbm>>, %arg3: memref<160x25x80xi32, #tpu.memory_space<hbm>>, %arg4: memref<160x25x80xi32, #tpu.memory_space<hbm>>, %arg5: memref<2x10240x128xf32, #tpu.memory_space<hbm>>, %arg6: memref<25x80xi32, #tpu.memory_space<vmem>>, %arg7: memref<25x80xi32, #tpu.memory_space<vmem>>, %arg8: memref<80x128xf32, #tpu.memory_space<vmem>>, %arg9: memref<80x128xf32, #tpu.memory_space<vmem>>, %arg10: memref<80x128xf32, #tpu.memory_space<vmem>>, %arg11: memref<80x128xf32, #tpu.memory_space<vmem>>, %arg12: memref<10240x128xf32, #tpu.memory_space<vmem_shared>>, %arg13: memref<!tpu.dma_semaphore, #tpu.memory_space<semaphore_mem>>, %arg14: memref<!tpu.dma_semaphore, #tpu.memory_space<semaphore_mem>>, %arg15: memref<!tpu.dma_semaphore, #tpu.memory_space<semaphore_mem>>, %arg16: memref<!tpu.dma_semaphore, #tpu.memory_space<semaphore_mem>>, %arg17: memref<!tpu.dma_semaphore, #tpu.memory_space<semaphore_mem>>, %arg18: memref<!tpu.dma_semaphore, #tpu.memory_space<semaphore_mem>>, %arg19: memref<!tpu.dma_semaphore, #tpu.memory_space<semaphore_mem>>, %arg20: memref<!tpu.dma_semaphore, #tpu.memory_space<semaphore_mem>>) attributes {dimension_semantics = [#tpu.dimension_semantics<core_parallel>, #tpu.dimension_semantics<subcore_parallel>], iteration_bounds = array<i64: 2, 16>, scalar_prefetch = 0 : i64, scratch_operands = 15 : i64, tpu.core_type = #tpu.core_type<sc_vector_subcore>, window_params = [{transform_indices = #map}, {transform_indices = #map1}, {transform_indices = #map1}, {transform_indices = #map1}]} {
    %mul3A = arith.constant 16 : i32
    %mul3A_0 = arith.muli %arg0, %mul3A : i32
    %add3A = arith.addi %mul3A_0, %arg1 : i32
    %scan3A = arith.constant 0 : i32
    %scan3A_1 = arith.constant 80 : i32
    %scan3A_2 = arith.addi %scan3A, %scan3A_1 : i32
    %scan3A_3 = arith.constant 1 : i32
    scf.for %scan3A_141 = %scan3A to %scan3A_2 step %scan3A_3  : i32 {
      %mul3A_142 = arith.constant 1 : i32
      %mul3A_143 = arith.muli %scan3A_141, %mul3A_142 : i32
      %add3A_144 = arith.constant 0 : i32
      %add3A_145 = arith.addi %add3A_144, %mul3A_143 : i32
      %scan3A_146 = arith.constant 0 : i32
      %scan3A_147 = arith.constant 8 : i32
      %scan3A_148 = arith.addi %scan3A_146, %scan3A_147 : i32
      %scan3A_149 = arith.constant 1 : i32
      scf.for %scan3A_151 = %scan3A_146 to %scan3A_148 step %scan3A_149  : i32 {
        %mul3A_152 = arith.constant 16 : i32
        %mul3A_153 = arith.muli %scan3A_151, %mul3A_152 : i32
        %add3A_154 = arith.constant 0 : i32
        %add3A_155 = arith.addi %add3A_154, %mul3A_153 : i32
        %broadcast_in_dim3A = arith.constant 0.000000e+00 : f32
        %broadcast_in_dim3A_156 = vector.broadcast %broadcast_in_dim3A : f32 to vector<1x16xf32>
        %swap3A = arith.index_cast %add3A_145 : i32 to index
        %swap3A_157 = arith.index_cast %add3A_155 : i32 to index
        %swap3A_158 = tpu.vector_load %arg8[%swap3A, %swap3A_157] {strides = array<i32>} : memref<80x128xf32, #tpu.memory_space<vmem>>, vector<1x16xf32>,
        %swap3A_159 = vector.shape_cast %swap3A_158 : vector<1x16xf32> to vector<1x16xf32>
        %swap3A_160 = vector.shape_cast %broadcast_in_dim3A_156 : vector<1x16xf32> to vector<1x16xf32>
        tpu.vector_store %arg8[%swap3A, %swap3A_157], %swap3A_160 {strides = array<i32>} : memref<80x128xf32, #tpu.memory_space<vmem>>, vector<1x16xf32>,
      }
      %scan3A_150 = arith.constant 8 : i32
    }
    %scan3A_4 = arith.constant 80 : i32
    %mul3A_5 = arith.constant 640 : i32
    %mul3A_6 = arith.muli %arg1, %mul3A_5 : i32
    %add3A_7 = arith.constant 0 : i32
    %add3A_8 = arith.addi %mul3A_6, %add3A_7 : i32
    %dma_start3A = arith.constant 0 : i32
    %dma_start3A_9 = tpu.memref_slice %arg12[%add3A_8, %dma_start3A] : memref<10240x128xf32, #tpu.memory_space<vmem_shared>> -> memref<80x128xf32, #tpu.memory_space<vmem_shared>>
    %dma_start3A_10 = arith.constant 0 : i32
    %dma_start3A_11 = tpu.memref_slice %arg12[%add3A_8, %dma_start3A_10] : memref<10240x128xf32, #tpu.memory_space<vmem_shared>> -> memref<80x128xf32, #tpu.memory_space<vmem_shared>>
    tpu.enqueue_dma source(%arg8 : memref<80x128xf32, #tpu.memory_space<vmem>>) target(%dma_start3A_11 : memref<80x128xf32, #tpu.memory_space<vmem_shared>>) target_semaphore(%arg13 : memref<!tpu.dma_semaphore, #tpu.memory_space<semaphore_mem>>)
    %mul3A_12 = arith.constant 640 : i32
    %mul3A_13 = arith.muli %arg1, %mul3A_12 : i32
    %add3A_14 = arith.constant 80 : i32
    %add3A_15 = arith.addi %mul3A_13, %add3A_14 : i32
    %dma_start3A_16 = arith.constant 0 : i32
    %dma_start3A_17 = tpu.memref_slice %arg12[%add3A_15, %dma_start3A_16] : memref<10240x128xf32, #tpu.memory_space<vmem_shared>> -> memref<80x128xf32, #tpu.memory_space<vmem_shared>>
    %dma_start3A_18 = arith.constant 0 : i32
    %dma_start3A_19 = tpu.memref_slice %arg12[%add3A_15, %dma_start3A_18] : memref<10240x128xf32, #tpu.memory_space<vmem_shared>> -> memref<80x128xf32, #tpu.memory_space<vmem_shared>>
    tpu.enqueue_dma source(%arg8 : memref<80x128xf32, #tpu.memory_space<vmem>>) target(%dma_start3A_19 : memref<80x128xf32, #tpu.memory_space<vmem_shared>>) target_semaphore(%arg14 : memref<!tpu.dma_semaphore, #tpu.memory_space<semaphore_mem>>)
    %mul3A_20 = arith.constant 640 : i32
    %mul3A_21 = arith.muli %arg1, %mul3A_20 : i32
    %add3A_22 = arith.constant 160 : i32
    %add3A_23 = arith.addi %mul3A_21, %add3A_22 : i32
    %dma_start3A_24 = arith.constant 0 : i32
    %dma_start3A_25 = tpu.memref_slice %arg12[%add3A_23, %dma_start3A_24] : memref<10240x128xf32, #tpu.memory_space<vmem_shared>> -> memref<80x128xf32, #tpu.memory_space<vmem_shared>>
    %dma_start3A_26 = arith.constant 0 : i32
    %dma_start3A_27 = tpu.memref_slice %arg12[%add3A_23, %dma_start3A_26] : memref<10240x128xf32, #tpu.memory_space<vmem_shared>> -> memref<80x128xf32, #tpu.memory_space<vmem_shared>>
    tpu.enqueue_dma source(%arg8 : memref<80x128xf32, #tpu.memory_space<vmem>>) target(%dma_start3A_27 : memref<80x128xf32, #tpu.memory_space<vmem_shared>>) target_semaphore(%arg15 : memref<!tpu.dma_semaphore, #tpu.memory_space<semaphore_mem>>)
    %mul3A_28 = arith.constant 640 : i32
    %mul3A_29 = arith.muli %arg1, %mul3A_28 : i32
    %add3A_30 = arith.constant 240 : i32
    %add3A_31 = arith.addi %mul3A_29, %add3A_30 : i32
    %dma_start3A_32 = arith.constant 0 : i32
    %dma_start3A_33 = tpu.memref_slice %arg12[%add3A_31, %dma_start3A_32] : memref<10240x128xf32, #tpu.memory_space<vmem_shared>> -> memref<80x128xf32, #tpu.memory_space<vmem_shared>>
    %dma_start3A_34 = arith.constant 0 : i32
    %dma_start3A_35 = tpu.memref_slice %arg12[%add3A_31, %dma_start3A_34] : memref<10240x128xf32, #tpu.memory_space<vmem_shared>> -> memref<80x128xf32, #tpu.memory_space<vmem_shared>>
    tpu.enqueue_dma source(%arg8 : memref<80x128xf32, #tpu.memory_space<vmem>>) target(%dma_start3A_35 : memref<80x128xf32, #tpu.memory_space<vmem_shared>>) target_semaphore(%arg16 : memref<!tpu.dma_semaphore, #tpu.memory_space<semaphore_mem>>)
    %mul3A_36 = arith.constant 640 : i32
    %mul3A_37 = arith.muli %arg1, %mul3A_36 : i32
    %add3A_38 = arith.constant 320 : i32
    %add3A_39 = arith.addi %mul3A_37, %add3A_38 : i32
    %dma_start3A_40 = arith.constant 0 : i32
    %dma_start3A_41 = tpu.memref_slice %arg12[%add3A_39, %dma_start3A_40] : memref<10240x128xf32, #tpu.memory_space<vmem_shared>> -> memref<80x128xf32, #tpu.memory_space<vmem_shared>>
    %dma_start3A_42 = arith.constant 0 : i32
    %dma_start3A_43 = tpu.memref_slice %arg12[%add3A_39, %dma_start3A_42] : memref<10240x128xf32, #tpu.memory_space<vmem_shared>> -> memref<80x128xf32, #tpu.memory_space<vmem_shared>>
    tpu.enqueue_dma source(%arg8 : memref<80x128xf32, #tpu.memory_space<vmem>>) target(%dma_start3A_43 : memref<80x128xf32, #tpu.memory_space<vmem_shared>>) target_semaphore(%arg13 : memref<!tpu.dma_semaphore, #tpu.memory_space<semaphore_mem>>)
    %mul3A_44 = arith.constant 640 : i32
    %mul3A_45 = arith.muli %arg1, %mul3A_44 : i32
    %add3A_46 = arith.constant 400 : i32
    %add3A_47 = arith.addi %mul3A_45, %add3A_46 : i32
    %dma_start3A_48 = arith.constant 0 : i32
    %dma_start3A_49 = tpu.memref_slice %arg12[%add3A_47, %dma_start3A_48] : memref<10240x128xf32, #tpu.memory_space<vmem_shared>> -> memref<80x128xf32, #tpu.memory_space<vmem_shared>>
    %dma_start3A_50 = arith.constant 0 : i32
    %dma_start3A_51 = tpu.memref_slice %arg12[%add3A_47, %dma_start3A_50] : memref<10240x128xf32, #tpu.memory_space<vmem_shared>> -> memref<80x128xf32, #tpu.memory_space<vmem_shared>>
    tpu.enqueue_dma source(%arg8 : memref<80x128xf32, #tpu.memory_space<vmem>>) target(%dma_start3A_51 : memref<80x128xf32, #tpu.memory_space<vmem_shared>>) target_semaphore(%arg14 : memref<!tpu.dma_semaphore, #tpu.memory_space<semaphore_mem>>)
    %mul3A_52 = arith.constant 640 : i32
    %mul3A_53 = arith.muli %arg1, %mul3A_52 : i32
    %add3A_54 = arith.constant 480 : i32
    %add3A_55 = arith.addi %mul3A_53, %add3A_54 : i32
    %dma_start3A_56 = arith.constant 0 : i32
    %dma_start3A_57 = tpu.memref_slice %arg12[%add3A_55, %dma_start3A_56] : memref<10240x128xf32, #tpu.memory_space<vmem_shared>> -> memref<80x128xf32, #tpu.memory_space<vmem_shared>>
    %dma_start3A_58 = arith.constant 0 : i32
    %dma_start3A_59 = tpu.memref_slice %arg12[%add3A_55, %dma_start3A_58] : memref<10240x128xf32, #tpu.memory_space<vmem_shared>> -> memref<80x128xf32, #tpu.memory_space<vmem_shared>>
    tpu.enqueue_dma source(%arg8 : memref<80x128xf32, #tpu.memory_space<vmem>>) target(%dma_start3A_59 : memref<80x128xf32, #tpu.memory_space<vmem_shared>>) target_semaphore(%arg15 : memref<!tpu.dma_semaphore, #tpu.memory_space<semaphore_mem>>)
    %mul3A_60 = arith.constant 640 : i32
    %mul3A_61 = arith.muli %arg1, %mul3A_60 : i32
    %add3A_62 = arith.constant 560 : i32
    %add3A_63 = arith.addi %mul3A_61, %add3A_62 : i32
    %dma_start3A_64 = arith.constant 0 : i32
    %dma_start3A_65 = tpu.memref_slice %arg12[%add3A_63, %dma_start3A_64] : memref<10240x128xf32, #tpu.memory_space<vmem_shared>> -> memref<80x128xf32, #tpu.memory_space<vmem_shared>>
    %dma_start3A_66 = arith.constant 0 : i32
    %dma_start3A_67 = tpu.memref_slice %arg12[%add3A_63, %dma_start3A_66] : memref<10240x128xf32, #tpu.memory_space<vmem_shared>> -> memref<80x128xf32, #tpu.memory_space<vmem_shared>>
    tpu.enqueue_dma source(%arg8 : memref<80x128xf32, #tpu.memory_space<vmem>>) target(%dma_start3A_67 : memref<80x128xf32, #tpu.memory_space<vmem_shared>>) target_semaphore(%arg16 : memref<!tpu.dma_semaphore, #tpu.memory_space<semaphore_mem>>)
    %mul3A_68 = arith.constant 640 : i32
    %mul3A_69 = arith.muli %arg1, %mul3A_68 : i32
    %add3A_70 = arith.constant 0 : i32
    %add3A_71 = arith.addi %mul3A_69, %add3A_70 : i32
    %dma_wait3A = arith.constant 0 : i32
    %dma_wait3A_72 = tpu.memref_slice %arg12[%add3A_71, %dma_wait3A] : memref<10240x128xf32, #tpu.memory_space<vmem_shared>> -> memref<80x128xf32, #tpu.memory_space<vmem_shared>>
    %dma_wait3A_73 = arith.constant 0 : i32
    %dma_wait3A_74 = tpu.memref_slice %arg12[%add3A_71, %dma_wait3A_73] : memref<10240x128xf32, #tpu.memory_space<vmem_shared>> -> memref<80x128xf32, #tpu.memory_space<vmem_shared>>
    tpu.wait_dma2 semaphore(%arg13 : memref<!tpu.dma_semaphore, #tpu.memory_space<semaphore_mem>>) src(%arg8 : memref<80x128xf32, #tpu.memory_space<vmem>>) dst(%dma_wait3A_74 : memref<80x128xf32, #tpu.memory_space<vmem_shared>>)
    %mul3A_75 = arith.constant 640 : i32
    %mul3A_76 = arith.muli %arg1, %mul3A_75 : i32
    %add3A_77 = arith.constant 80 : i32
    %add3A_78 = arith.addi %mul3A_76, %add3A_77 : i32
    %dma_wait3A_79 = arith.constant 0 : i32
    %dma_wait3A_80 = tpu.memref_slice %arg12[%add3A_78, %dma_wait3A_79] : memref<10240x128xf32, #tpu.memory_space<vmem_shared>> -> memref<80x128xf32, #tpu.memory_space<vmem_shared>>
    %dma_wait3A_81 = arith.constant 0 : i32
    %dma_wait3A_82 = tpu.memref_slice %arg12[%add3A_78, %dma_wait3A_81] : memref<10240x128xf32, #tpu.memory_space<vmem_shared>> -> memref<80x128xf32, #tpu.memory_space<vmem_shared>>
    tpu.wait_dma2 semaphore(%arg14 : memref<!tpu.dma_semaphore, #tpu.memory_space<semaphore_mem>>) src(%arg8 : memref<80x128xf32, #tpu.memory_space<vmem>>) dst(%dma_wait3A_82 : memref<80x128xf32, #tpu.memory_space<vmem_shared>>)
    %mul3A_83 = arith.constant 640 : i32
    %mul3A_84 = arith.muli %arg1, %mul3A_83 : i32
    %add3A_85 = arith.constant 160 : i32
    %add3A_86 = arith.addi %mul3A_84, %add3A_85 : i32
    %dma_wait3A_87 = arith.constant 0 : i32
    %dma_wait3A_88 = tpu.memref_slice %arg12[%add3A_86, %dma_wait3A_87] : memref<10240x128xf32, #tpu.memory_space<vmem_shared>> -> memref<80x128xf32, #tpu.memory_space<vmem_shared>>
    %dma_wait3A_89 = arith.constant 0 : i32
    %dma_wait3A_90 = tpu.memref_slice %arg12[%add3A_86, %dma_wait3A_89] : memref<10240x128xf32, #tpu.memory_space<vmem_shared>> -> memref<80x128xf32, #tpu.memory_space<vmem_shared>>
    tpu.wait_dma2 semaphore(%arg15 : memref<!tpu.dma_semaphore, #tpu.memory_space<semaphore_mem>>) src(%arg8 : memref<80x128xf32, #tpu.memory_space<vmem>>) dst(%dma_wait3A_90 : memref<80x128xf32, #tpu.memory_space<vmem_shared>>)
    %mul3A_91 = arith.constant 640 : i32
    %mul3A_92 = arith.muli %arg1, %mul3A_91 : i32
    %add3A_93 = arith.constant 240 : i32
    %add3A_94 = arith.addi %mul3A_92, %add3A_93 : i32
    %dma_wait3A_95 = arith.constant 0 : i32
    %dma_wait3A_96 = tpu.memref_slice %arg12[%add3A_94, %dma_wait3A_95] : memref<10240x128xf32, #tpu.memory_space<vmem_shared>> -> memref<80x128xf32, #tpu.memory_space<vmem_shared>>
    %dma_wait3A_97 = arith.constant 0 : i32
    %dma_wait3A_98 = tpu.memref_slice %arg12[%add3A_94, %dma_wait3A_97] : memref<10240x128xf32, #tpu.memory_space<vmem_shared>> -> memref<80x128xf32, #tpu.memory_space<vmem_shared>>
    tpu.wait_dma2 semaphore(%arg16 : memref<!tpu.dma_semaphore, #tpu.memory_space<semaphore_mem>>) src(%arg8 : memref<80x128xf32, #tpu.memory_space<vmem>>) dst(%dma_wait3A_98 : memref<80x128xf32, #tpu.memory_space<vmem_shared>>)
    %mul3A_99 = arith.constant 640 : i32
    %mul3A_100 = arith.muli %arg1, %mul3A_99 : i32
    %add3A_101 = arith.constant 320 : i32
    %add3A_102 = arith.addi %mul3A_100, %add3A_101 : i32
    %dma_wait3A_103 = arith.constant 0 : i32
    %dma_wait3A_104 = tpu.memref_slice %arg12[%add3A_102, %dma_wait3A_103] : memref<10240x128xf32, #tpu.memory_space<vmem_shared>> -> memref<80x128xf32, #tpu.memory_space<vmem_shared>>
    %dma_wait3A_105 = arith.constant 0 : i32
    %dma_wait3A_106 = tpu.memref_slice %arg12[%add3A_102, %dma_wait3A_105] : memref<10240x128xf32, #tpu.memory_space<vmem_shared>> -> memref<80x128xf32, #tpu.memory_space<vmem_shared>>
    tpu.wait_dma2 semaphore(%arg13 : memref<!tpu.dma_semaphore, #tpu.memory_space<semaphore_mem>>) src(%arg8 : memref<80x128xf32, #tpu.memory_space<vmem>>) dst(%dma_wait3A_106 : memref<80x128xf32, #tpu.memory_space<vmem_shared>>)
    %mul3A_107 = arith.constant 640 : i32
    %mul3A_108 = arith.muli %arg1, %mul3A_107 : i32
    %add3A_109 = arith.constant 400 : i32
    %add3A_110 = arith.addi %mul3A_108, %add3A_109 : i32
    %dma_wait3A_111 = arith.constant 0 : i32
    %dma_wait3A_112 = tpu.memref_slice %arg12[%add3A_110, %dma_wait3A_111] : memref<10240x128xf32, #tpu.memory_space<vmem_shared>> -> memref<80x128xf32, #tpu.memory_space<vmem_shared>>
    %dma_wait3A_113 = arith.constant 0 : i32
    %dma_wait3A_114 = tpu.memref_slice %arg12[%add3A_110, %dma_wait3A_113] : memref<10240x128xf32, #tpu.memory_space<vmem_shared>> -> memref<80x128xf32, #tpu.memory_space<vmem_shared>>
    tpu.wait_dma2 semaphore(%arg14 : memref<!tpu.dma_semaphore, #tpu.memory_space<semaphore_mem>>) src(%arg8 : memref<80x128xf32, #tpu.memory_space<vmem>>) dst(%dma_wait3A_114 : memref<80x128xf32, #tpu.memory_space<vmem_shared>>)
    %mul3A_115 = arith.constant 640 : i32
    %mul3A_116 = arith.muli %arg1, %mul3A_115 : i32
    %add3A_117 = arith.constant 480 : i32
    %add3A_118 = arith.addi %mul3A_116, %add3A_117 : i32
    %dma_wait3A_119 = arith.constant 0 : i32
    %dma_wait3A_120 = tpu.memref_slice %arg12[%add3A_118, %dma_wait3A_119] : memref<10240x128xf32, #tpu.memory_space<vmem_shared>> -> memref<80x128xf32, #tpu.memory_space<vmem_shared>>
    %dma_wait3A_121 = arith.constant 0 : i32
    %dma_wait3A_122 = tpu.memref_slice %arg12[%add3A_118, %dma_wait3A_121] : memref<10240x128xf32, #tpu.memory_space<vmem_shared>> -> memref<80x128xf32, #tpu.memory_space<vmem_shared>>
    tpu.wait_dma2 semaphore(%arg15 : memref<!tpu.dma_semaphore, #tpu.memory_space<semaphore_mem>>) src(%arg8 : memref<80x128xf32, #tpu.memory_space<vmem>>) dst(%dma_wait3A_122 : memref<80x128xf32, #tpu.memory_space<vmem_shared>>)
    %mul3A_123 = arith.constant 640 : i32
    %mul3A_124 = arith.muli %arg1, %mul3A_123 : i32
    %add3A_125 = arith.constant 560 : i32
    %add3A_126 = arith.addi %mul3A_124, %add3A_125 : i32
    %dma_wait3A_127 = arith.constant 0 : i32
    %dma_wait3A_128 = tpu.memref_slice %arg12[%add3A_126, %dma_wait3A_127] : memref<10240x128xf32, #tpu.memory_space<vmem_shared>> -> memref<80x128xf32, #tpu.memory_space<vmem_shared>>
    %dma_wait3A_129 = arith.constant 0 : i32
    %dma_wait3A_130 = tpu.memref_slice %arg12[%add3A_126, %dma_wait3A_129] : memref<10240x128xf32, #tpu.memory_space<vmem_shared>> -> memref<80x128xf32, #tpu.memory_space<vmem_shared>>
    tpu.wait_dma2 semaphore(%arg16 : memref<!tpu.dma_semaphore, #tpu.memory_space<semaphore_mem>>) src(%arg8 : memref<80x128xf32, #tpu.memory_space<vmem>>) dst(%dma_wait3A_130 : memref<80x128xf32, #tpu.memory_space<vmem_shared>>)
    %barrier3A = arith.constant 0 : index
    tpu.barrier barrier_id(%barrier3A)
    %scan3A_131 = arith.constant 0 : i32
    %scan3A_132 = arith.constant 5 : i32
    %scan3A_133 = arith.addi %scan3A_131, %scan3A_132 : i32
    %scan3A_134 = arith.constant 1 : i32
    scf.for %scan3A_141 = %scan3A_131 to %scan3A_133 step %scan3A_134  : i32 {
      %mul3A_142 = arith.constant 1 : i32
      %mul3A_143 = arith.muli %scan3A_141, %mul3A_142 : i32
      %add3A_144 = arith.constant 0 : i32
      %add3A_145 = arith.addi %add3A_144, %mul3A_143 : i32
      %mul3A_146 = arith.constant 5 : i32
      %mul3A_147 = arith.muli %add3A, %mul3A_146 : i32
      %add3A_148 = arith.addi %mul3A_147, %add3A_145 : i32
      "tpu.region"() ({
        %run_scoped3A = tpu.sem_alloc : memref<!tpu.dma_semaphore, #tpu.memory_space<semaphore_mem>>
        %dma_start3A_206 = arith.constant 0 : i32
        %dma_start3A_207 = arith.constant 0 : i32
        %dma_start3A_208 = tpu.memref_slice %arg3[%add3A_148, %dma_start3A_206, %dma_start3A_207] : memref<160x25x80xi32, #tpu.memory_space<hbm>> -> memref<1x25x80xi32, #tpu.memory_space<hbm>>
        %dma_start3A_209 = tpu.memref_squeeze %dma_start3A_208 : memref<1x25x80xi32, #tpu.memory_space<hbm>> -> memref<25x80xi32, #tpu.memory_space<hbm>>
        %dma_start3A_210 = arith.constant 0 : i32
        %dma_start3A_211 = arith.constant 0 : i32
        %dma_start3A_212 = tpu.memref_slice %arg3[%add3A_148, %dma_start3A_210, %dma_start3A_211] : memref<160x25x80xi32, #tpu.memory_space<hbm>> -> memref<1x25x80xi32, #tpu.memory_space<hbm>>
        %dma_start3A_213 = tpu.memref_squeeze %dma_start3A_212 : memref<1x25x80xi32, #tpu.memory_space<hbm>> -> memref<25x80xi32, #tpu.memory_space<hbm>>
        tpu.enqueue_dma source(%dma_start3A_213 : memref<25x80xi32, #tpu.memory_space<hbm>>) target(%arg6 : memref<25x80xi32, #tpu.memory_space<vmem>>) target_semaphore(%run_scoped3A : memref<!tpu.dma_semaphore, #tpu.memory_space<semaphore_mem>>)
        %dma_wait3A_214 = arith.constant 0 : i32
        %dma_wait3A_215 = arith.constant 0 : i32
        %dma_wait3A_216 = tpu.memref_slice %arg3[%add3A_148, %dma_wait3A_214, %dma_wait3A_215] : memref<160x25x80xi32, #tpu.memory_space<hbm>> -> memref<1x25x80xi32, #tpu.memory_space<hbm>>
        %dma_wait3A_217 = tpu.memref_squeeze %dma_wait3A_216 : memref<1x25x80xi32, #tpu.memory_space<hbm>> -> memref<25x80xi32, #tpu.memory_space<hbm>>
        %dma_wait3A_218 = arith.constant 0 : i32
        %dma_wait3A_219 = arith.constant 0 : i32
        %dma_wait3A_220 = tpu.memref_slice %arg3[%add3A_148, %dma_wait3A_218, %dma_wait3A_219] : memref<160x25x80xi32, #tpu.memory_space<hbm>> -> memref<1x25x80xi32, #tpu.memory_space<hbm>>
        %dma_wait3A_221 = tpu.memref_squeeze %dma_wait3A_220 : memref<1x25x80xi32, #tpu.memory_space<hbm>> -> memref<25x80xi32, #tpu.memory_space<hbm>>
        tpu.wait_dma2 semaphore(%run_scoped3A : memref<!tpu.dma_semaphore, #tpu.memory_space<semaphore_mem>>) src(%dma_wait3A_221 : memref<25x80xi32, #tpu.memory_space<hbm>>) dst(%arg6 : memref<25x80xi32, #tpu.memory_space<vmem>>)
        tpu.yield
      }) : () -> ()
      %mul3A_149 = arith.constant 5 : i32
      %mul3A_150 = arith.muli %add3A, %mul3A_149 : i32
      %add3A_151 = arith.addi %mul3A_150, %add3A_145 : i32
      "tpu.region"() ({
        %run_scoped3A = tpu.sem_alloc : memref<!tpu.dma_semaphore, #tpu.memory_space<semaphore_mem>>
        %dma_start3A_206 = arith.constant 0 : i32
        %dma_start3A_207 = arith.constant 0 : i32
        %dma_start3A_208 = tpu.memref_slice %arg4[%add3A_151, %dma_start3A_206, %dma_start3A_207] : memref<160x25x80xi32, #tpu.memory_space<hbm>> -> memref<1x25x80xi32, #tpu.memory_space<hbm>>
        %dma_start3A_209 = tpu.memref_squeeze %dma_start3A_208 : memref<1x25x80xi32, #tpu.memory_space<hbm>> -> memref<25x80xi32, #tpu.memory_space<hbm>>
        %dma_start3A_210 = arith.constant 0 : i32
        %dma_start3A_211 = arith.constant 0 : i32
        %dma_start3A_212 = tpu.memref_slice %arg4[%add3A_151, %dma_start3A_210, %dma_start3A_211] : memref<160x25x80xi32, #tpu.memory_space<hbm>> -> memref<1x25x80xi32, #tpu.memory_space<hbm>>
        %dma_start3A_213 = tpu.memref_squeeze %dma_start3A_212 : memref<1x25x80xi32, #tpu.memory_space<hbm>> -> memref<25x80xi32, #tpu.memory_space<hbm>>
        tpu.enqueue_dma source(%dma_start3A_213 : memref<25x80xi32, #tpu.memory_space<hbm>>) target(%arg7 : memref<25x80xi32, #tpu.memory_space<vmem>>) target_semaphore(%run_scoped3A : memref<!tpu.dma_semaphore, #tpu.memory_space<semaphore_mem>>)
        %dma_wait3A_214 = arith.constant 0 : i32
        %dma_wait3A_215 = arith.constant 0 : i32
        %dma_wait3A_216 = tpu.memref_slice %arg4[%add3A_151, %dma_wait3A_214, %dma_wait3A_215] : memref<160x25x80xi32, #tpu.memory_space<hbm>> -> memref<1x25x80xi32, #tpu.memory_space<hbm>>
        %dma_wait3A_217 = tpu.memref_squeeze %dma_wait3A_216 : memref<1x25x80xi32, #tpu.memory_space<hbm>> -> memref<25x80xi32, #tpu.memory_space<hbm>>
        %dma_wait3A_218 = arith.constant 0 : i32
        %dma_wait3A_219 = arith.constant 0 : i32
        %dma_wait3A_220 = tpu.memref_slice %arg4[%add3A_151, %dma_wait3A_218, %dma_wait3A_219] : memref<160x25x80xi32, #tpu.memory_space<hbm>> -> memref<1x25x80xi32, #tpu.memory_space<hbm>>
        %dma_wait3A_221 = tpu.memref_squeeze %dma_wait3A_220 : memref<1x25x80xi32, #tpu.memory_space<hbm>> -> memref<25x80xi32, #tpu.memory_space<hbm>>
        tpu.wait_dma2 semaphore(%run_scoped3A : memref<!tpu.dma_semaphore, #tpu.memory_space<semaphore_mem>>) src(%dma_wait3A_221 : memref<25x80xi32, #tpu.memory_space<hbm>>) dst(%arg7 : memref<25x80xi32, #tpu.memory_space<vmem>>)
        tpu.yield
      }) : () -> ()
      %dma_start3A_152 = arith.constant 0 : i32
      %dma_start3A_153 = arith.constant 0 : i32
      %dma_start3A_154 = tpu.memref_slice %arg6[%dma_start3A_152, %dma_start3A_153] : memref<25x80xi32, #tpu.memory_space<vmem>> -> memref<1x80xi32, #tpu.memory_space<vmem>>
      %dma_start3A_155 = tpu.memref_squeeze %dma_start3A_154 : memref<1x80xi32, #tpu.memory_space<vmem>> -> memref<80xi32, #tpu.memory_space<vmem>>
      %dma_start3A_156 = arith.constant 0 : i32
      %dma_start3A_157 = arith.constant 0 : i32
      %dma_start3A_158 = tpu.memref_slice %arg2[%dma_start3A_156, %dma_start3A_157] : memref<10000x128xf32, #tpu.memory_space<hbm>> -> memref<10000x128xf32, #tpu.memory_space<hbm>>
      tpu.enqueue_indirect_dma source(%dma_start3A_158 : memref<10000x128xf32, #tpu.memory_space<hbm>>) target(%arg8 : memref<80x128xf32, #tpu.memory_space<vmem>>) offsets(%dma_start3A_155 : memref<80xi32, #tpu.memory_space<vmem>>) semaphore(%arg13 : memref<!tpu.dma_semaphore, #tpu.memory_space<semaphore_mem>>)
      %dma_start3A_159 = arith.constant 1 : i32
      %dma_start3A_160 = arith.constant 0 : i32
      %dma_start3A_161 = tpu.memref_slice %arg6[%dma_start3A_159, %dma_start3A_160] : memref<25x80xi32, #tpu.memory_space<vmem>> -> memref<1x80xi32, #tpu.memory_space<vmem>>
      %dma_start3A_162 = tpu.memref_squeeze %dma_start3A_161 : memref<1x80xi32, #tpu.memory_space<vmem>> -> memref<80xi32, #tpu.memory_space<vmem>>
      %dma_start3A_163 = arith.constant 0 : i32
      %dma_start3A_164 = arith.constant 0 : i32
      %dma_start3A_165 = tpu.memref_slice %arg2[%dma_start3A_163, %dma_start3A_164] : memref<10000x128xf32, #tpu.memory_space<hbm>> -> memref<10000x128xf32, #tpu.memory_space<hbm>>
      tpu.enqueue_indirect_dma source(%dma_start3A_165 : memref<10000x128xf32, #tpu.memory_space<hbm>>) target(%arg9 : memref<80x128xf32, #tpu.memory_space<vmem>>) offsets(%dma_start3A_162 : memref<80xi32, #tpu.memory_space<vmem>>) semaphore(%arg14 : memref<!tpu.dma_semaphore, #tpu.memory_space<semaphore_mem>>)
      %dma_start3A_166 = arith.constant 2 : i32
      %dma_start3A_167 = arith.constant 0 : i32
      %dma_start3A_168 = tpu.memref_slice %arg6[%dma_start3A_166, %dma_start3A_167] : memref<25x80xi32, #tpu.memory_space<vmem>> -> memref<1x80xi32, #tpu.memory_space<vmem>>
      %dma_start3A_169 = tpu.memref_squeeze %dma_start3A_168 : memref<1x80xi32, #tpu.memory_space<vmem>> -> memref<80xi32, #tpu.memory_space<vmem>>
      %dma_start3A_170 = arith.constant 0 : i32
      %dma_start3A_171 = arith.constant 0 : i32
      %dma_start3A_172 = tpu.memref_slice %arg2[%dma_start3A_170, %dma_start3A_171] : memref<10000x128xf32, #tpu.memory_space<hbm>> -> memref<10000x128xf32, #tpu.memory_space<hbm>>
      tpu.enqueue_indirect_dma source(%dma_start3A_172 : memref<10000x128xf32, #tpu.memory_space<hbm>>) target(%arg10 : memref<80x128xf32, #tpu.memory_space<vmem>>) offsets(%dma_start3A_169 : memref<80xi32, #tpu.memory_space<vmem>>) semaphore(%arg15 : memref<!tpu.dma_semaphore, #tpu.memory_space<semaphore_mem>>)
      %scan3A_173 = arith.constant 0 : i32
      %scan3A_174 = arith.constant 7 : i32
      %scan3A_175 = arith.addi %scan3A_173, %scan3A_174 : i32
      %scan3A_176 = arith.constant 1 : i32
      scf.for %scan3A_206 = %scan3A_173 to %scan3A_175 step %scan3A_176  : i32 {
        %mul3A_207 = arith.constant 4 : i32
        %mul3A_208 = arith.muli %scan3A_206, %mul3A_207 : i32
        %add3A_209 = arith.constant 0 : i32
        %add3A_210 = arith.addi %add3A_209, %mul3A_208 : i32
        %add3A_211 = arith.constant 0 : i32
        %add3A_212 = arith.addi %add3A_210, %add3A_211 : i32
        %add3A_213 = arith.constant 3 : i32
        %add3A_214 = arith.addi %add3A_212, %add3A_213 : i32
        %lt3A = arith.constant 25 : i32
        %lt3A_215 = arith.cmpi slt, %add3A_214, %lt3A : i32
        %convert_element_type3A = arith.extui %lt3A_215 : i1 to i32
        %cond3A = arith.constant 0 : i32
        %cond3A_216 = arith.cmpi ne, %convert_element_type3A, %cond3A : i32
        scf.if %cond3A_216 {
          %ge3A = arith.constant 1 : i32
          %ge3A_254 = arith.cmpi sge, %add3A_210, %ge3A : i32
          %convert_element_type3A_255 = arith.extui %ge3A_254 : i1 to i32
          %cond3A_256 = arith.constant 0 : i32
          %cond3A_257 = arith.cmpi ne, %convert_element_type3A_255, %cond3A_256 : i32
          scf.if %cond3A_257 {
            %add3A_268 = arith.constant 0 : i32
            %add3A_269 = arith.addi %add3A_210, %add3A_268 : i32
            %sub3A = arith.constant 1 : i32
            %sub3A_270 = arith.subi %add3A_269, %sub3A : i32
            %dma_wait3A_271 = arith.constant 0 : i32
            %dma_wait3A_272 = tpu.memref_slice %arg7[%sub3A_270, %dma_wait3A_271] : memref<25x80xi32, #tpu.memory_space<vmem>> -> memref<1x80xi32, #tpu.memory_space<vmem>>
            %dma_wait3A_273 = tpu.memref_squeeze %dma_wait3A_272 : memref<1x80xi32, #tpu.memory_space<vmem>> -> memref<80xi32, #tpu.memory_space<vmem>>
            %dma_wait3A_274 = arith.constant 0 : i32
            %dma_wait3A_275 = arith.constant 0 : i32
            %dma_wait3A_276 = tpu.memref_slice %arg12[%dma_wait3A_274, %dma_wait3A_275] : memref<10240x128xf32, #tpu.memory_space<vmem_shared>> -> memref<10240x128xf32, #tpu.memory_space<vmem_shared>>
            tpu.wait_indirect_dma semaphore(%arg20 : memref<!tpu.dma_semaphore, #tpu.memory_space<semaphore_mem>>) src(%arg11 : memref<80x128xf32, #tpu.memory_space<vmem>>) dst(%dma_wait3A_276 : memref<10240x128xf32, #tpu.memory_space<vmem_shared>>)
          } else {
          }
          %add3A_258 = arith.constant 0 : i32
          %add3A_259 = arith.addi %add3A_210, %add3A_258 : i32
          %add3A_260 = arith.constant 3 : i32
          %add3A_261 = arith.addi %add3A_259, %add3A_260 : i32
          %dma_start3A_262 = arith.constant 0 : i32
          %dma_start3A_263 = tpu.memref_slice %arg6[%add3A_261, %dma_start3A_262] : memref<25x80xi32, #tpu.memory_space<vmem>> -> memref<1x80xi32, #tpu.memory_space<vmem>>
          %dma_start3A_264 = tpu.memref_squeeze %dma_start3A_263 : memref<1x80xi32, #tpu.memory_space<vmem>> -> memref<80xi32, #tpu.memory_space<vmem>>
          %dma_start3A_265 = arith.constant 0 : i32
          %dma_start3A_266 = arith.constant 0 : i32
          %dma_start3A_267 = tpu.memref_slice %arg2[%dma_start3A_265, %dma_start3A_266] : memref<10000x128xf32, #tpu.memory_space<hbm>> -> memref<10000x128xf32, #tpu.memory_space<hbm>>
          tpu.enqueue_indirect_dma source(%dma_start3A_267 : memref<10000x128xf32, #tpu.memory_space<hbm>>) target(%arg11 : memref<80x128xf32, #tpu.memory_space<vmem>>) offsets(%dma_start3A_264 : memref<80xi32, #tpu.memory_space<vmem>>) semaphore(%arg16 : memref<!tpu.dma_semaphore, #tpu.memory_space<semaphore_mem>>)
        } else {
        }
        %add3A_217 = arith.constant 0 : i32
        %add3A_218 = arith.addi %add3A_210, %add3A_217 : i32
        %dma_wait3A_219 = arith.constant 0 : i32
        %dma_wait3A_220 = tpu.memref_slice %arg6[%add3A_218, %dma_wait3A_219] : memref<25x80xi32, #tpu.memory_space<vmem>> -> memref<1x80xi32, #tpu.memory_space<vmem>>
        %dma_wait3A_221 = tpu.memref_squeeze %dma_wait3A_220 : memref<1x80xi32, #tpu.memory_space<vmem>> -> memref<80xi32, #tpu.memory_space<vmem>>
        %dma_wait3A_222 = arith.constant 0 : i32
        %dma_wait3A_223 = arith.constant 0 : i32
        %dma_wait3A_224 = tpu.memref_slice %arg2[%dma_wait3A_222, %dma_wait3A_223] : memref<10000x128xf32, #tpu.memory_space<hbm>> -> memref<10000x128xf32, #tpu.memory_space<hbm>>
        tpu.wait_indirect_dma semaphore(%arg13 : memref<!tpu.dma_semaphore, #tpu.memory_space<semaphore_mem>>) src(%dma_wait3A_224 : memref<10000x128xf32, #tpu.memory_space<hbm>>) dst(%arg8 : memref<80x128xf32, #tpu.memory_space<vmem>>)
        %add3A_225 = arith.constant 0 : i32
        %add3A_226 = arith.addi %add3A_210, %add3A_225 : i32
        %dma_start3A_227 = arith.constant 0 : i32
        %dma_start3A_228 = tpu.memref_slice %arg7[%add3A_226, %dma_start3A_227] : memref<25x80xi32, #tpu.memory_space<vmem>> -> memref<1x80xi32, #tpu.memory_space<vmem>>
        %dma_start3A_229 = tpu.memref_squeeze %dma_start3A_228 : memref<1x80xi32, #tpu.memory_space<vmem>> -> memref<80xi32, #tpu.memory_space<vmem>>
        %dma_start3A_230 = arith.constant 0 : i32
        %dma_start3A_231 = arith.constant 0 : i32
        %dma_start3A_232 = tpu.memref_slice %arg12[%dma_start3A_230, %dma_start3A_231] : memref<10240x128xf32, #tpu.memory_space<vmem_shared>> -> memref<10240x128xf32, #tpu.memory_space<vmem_shared>>
        tpu.enqueue_indirect_dma source(%arg8 : memref<80x128xf32, #tpu.memory_space<vmem>>) target(%dma_start3A_232 : memref<10240x128xf32, #tpu.memory_space<vmem_shared>>) offsets(%dma_start3A_229 : memref<80xi32, #tpu.memory_space<vmem>>) semaphore(%arg17 : memref<!tpu.dma_semaphore, #tpu.memory_space<semaphore_mem>>) {add = true}
        %add3A_233 = arith.constant 1 : i32
        %add3A_234 = arith.addi %add3A_210, %add3A_233 : i32
        %lt3A_235 = arith.constant 25 : i32
        %lt3A_236 = arith.cmpi slt, %add3A_234, %lt3A_235 : i32
        %convert_element_type3A_237 = arith.extui %lt3A_236 : i1 to i32
        %cond3A_238 = arith.constant 0 : i32
        %cond3A_239 = arith.cmpi ne, %convert_element_type3A_237, %cond3A_238 : i32
        scf.if %cond3A_239 {
          %add3A_254 = arith.constant 1 : i32
          %add3A_255 = arith.addi %add3A_210, %add3A_254 : i32
          %add3A_256 = arith.constant 3 : i32
          %add3A_257 = arith.addi %add3A_255, %add3A_256 : i32
          %lt3A_258 = arith.constant 25 : i32
          %lt3A_259 = arith.cmpi slt, %add3A_257, %lt3A_258 : i32
          %convert_element_type3A_260 = arith.extui %lt3A_259 : i1 to i32
          %cond3A_261 = arith.constant 0 : i32
          %cond3A_262 = arith.cmpi ne, %convert_element_type3A_260, %cond3A_261 : i32
          scf.if %cond3A_262 {
            %add3A_279 = arith.constant 1 : i32
            %add3A_280 = arith.addi %add3A_210, %add3A_279 : i32
            %sub3A = arith.constant 1 : i32
            %sub3A_281 = arith.subi %add3A_280, %sub3A : i32
            %dma_wait3A_282 = arith.constant 0 : i32
            %dma_wait3A_283 = tpu.memref_slice %arg7[%sub3A_281, %dma_wait3A_282] : memref<25x80xi32, #tpu.memory_space<vmem>> -> memref<1x80xi32, #tpu.memory_space<vmem>>
            %dma_wait3A_284 = tpu.memref_squeeze %dma_wait3A_283 : memref<1x80xi32, #tpu.memory_space<vmem>> -> memref<80xi32, #tpu.memory_space<vmem>>
            %dma_wait3A_285 = arith.constant 0 : i32
            %dma_wait3A_286 = arith.constant 0 : i32
            %dma_wait3A_287 = tpu.memref_slice %arg12[%dma_wait3A_285, %dma_wait3A_286] : memref<10240x128xf32, #tpu.memory_space<vmem_shared>> -> memref<10240x128xf32, #tpu.memory_space<vmem_shared>>
            tpu.wait_indirect_dma semaphore(%arg17 : memref<!tpu.dma_semaphore, #tpu.memory_space<semaphore_mem>>) src(%arg8 : memref<80x128xf32, #tpu.memory_space<vmem>>) dst(%dma_wait3A_287 : memref<10240x128xf32, #tpu.memory_space<vmem_shared>>)
            %add3A_288 = arith.constant 1 : i32
            %add3A_289 = arith.addi %add3A_210, %add3A_288 : i32
            %add3A_290 = arith.constant 3 : i32
            %add3A_291 = arith.addi %add3A_289, %add3A_290 : i32
            %dma_start3A_292 = arith.constant 0 : i32
            %dma_start3A_293 = tpu.memref_slice %arg6[%add3A_291, %dma_start3A_292] : memref<25x80xi32, #tpu.memory_space<vmem>> -> memref<1x80xi32, #tpu.memory_space<vmem>>
            %dma_start3A_294 = tpu.memref_squeeze %dma_start3A_293 : memref<1x80xi32, #tpu.memory_space<vmem>> -> memref<80xi32, #tpu.memory_space<vmem>>
            %dma_start3A_295 = arith.constant 0 : i32
            %dma_start3A_296 = arith.constant 0 : i32
            %dma_start3A_297 = tpu.memref_slice %arg2[%dma_start3A_295, %dma_start3A_296] : memref<10000x128xf32, #tpu.memory_space<hbm>> -> memref<10000x128xf32, #tpu.memory_space<hbm>>
            tpu.enqueue_indirect_dma source(%dma_start3A_297 : memref<10000x128xf32, #tpu.memory_space<hbm>>) target(%arg8 : memref<80x128xf32, #tpu.memory_space<vmem>>) offsets(%dma_start3A_294 : memref<80xi32, #tpu.memory_space<vmem>>) semaphore(%arg13 : memref<!tpu.dma_semaphore, #tpu.memory_space<semaphore_mem>>)
          } else {
          }
          %add3A_263 = arith.constant 1 : i32
          %add3A_264 = arith.addi %add3A_210, %add3A_263 : i32
          %dma_wait3A_265 = arith.constant 0 : i32
          %dma_wait3A_266 = tpu.memref_slice %arg6[%add3A_264, %dma_wait3A_265] : memref<25x80xi32, #tpu.memory_space<vmem>> -> memref<1x80xi32, #tpu.memory_space<vmem>>
          %dma_wait3A_267 = tpu.memref_squeeze %dma_wait3A_266 : memref<1x80xi32, #tpu.memory_space<vmem>> -> memref<80xi32, #tpu.memory_space<vmem>>
          %dma_wait3A_268 = arith.constant 0 : i32
          %dma_wait3A_269 = arith.constant 0 : i32
          %dma_wait3A_270 = tpu.memref_slice %arg2[%dma_wait3A_268, %dma_wait3A_269] : memref<10000x128xf32, #tpu.memory_space<hbm>> -> memref<10000x128xf32, #tpu.memory_space<hbm>>
          tpu.wait_indirect_dma semaphore(%arg14 : memref<!tpu.dma_semaphore, #tpu.memory_space<semaphore_mem>>) src(%dma_wait3A_270 : memref<10000x128xf32, #tpu.memory_space<hbm>>) dst(%arg9 : memref<80x128xf32, #tpu.memory_space<vmem>>)
          %add3A_271 = arith.constant 1 : i32
          %add3A_272 = arith.addi %add3A_210, %add3A_271 : i32
          %dma_start3A_273 = arith.constant 0 : i32
          %dma_start3A_274 = tpu.memref_slice %arg7[%add3A_272, %dma_start3A_273] : memref<25x80xi32, #tpu.memory_space<vmem>> -> memref<1x80xi32, #tpu.memory_space<vmem>>
          %dma_start3A_275 = tpu.memref_squeeze %dma_start3A_274 : memref<1x80xi32, #tpu.memory_space<vmem>> -> memref<80xi32, #tpu.memory_space<vmem>>
          %dma_start3A_276 = arith.constant 0 : i32
          %dma_start3A_277 = arith.constant 0 : i32
          %dma_start3A_278 = tpu.memref_slice %arg12[%dma_start3A_276, %dma_start3A_277] : memref<10240x128xf32, #tpu.memory_space<vmem_shared>> -> memref<10240x128xf32, #tpu.memory_space<vmem_shared>>
          tpu.enqueue_indirect_dma source(%arg9 : memref<80x128xf32, #tpu.memory_space<vmem>>) target(%dma_start3A_278 : memref<10240x128xf32, #tpu.memory_space<vmem_shared>>) offsets(%dma_start3A_275 : memref<80xi32, #tpu.memory_space<vmem>>) semaphore(%arg18 : memref<!tpu.dma_semaphore, #tpu.memory_space<semaphore_mem>>) {add = true}
        } else {
        }
        %add3A_240 = arith.constant 2 : i32
        %add3A_241 = arith.addi %add3A_210, %add3A_240 : i32
        %lt3A_242 = arith.constant 25 : i32
        %lt3A_243 = arith.cmpi slt, %add3A_241, %lt3A_242 : i32
        %convert_element_type3A_244 = arith.extui %lt3A_243 : i1 to i32
        %cond3A_245 = arith.constant 0 : i32
        %cond3A_246 = arith.cmpi ne, %convert_element_type3A_244, %cond3A_245 : i32
        scf.if %cond3A_246 {
          %add3A_254 = arith.constant 2 : i32
          %add3A_255 = arith.addi %add3A_210, %add3A_254 : i32
          %add3A_256 = arith.constant 3 : i32
          %add3A_257 = arith.addi %add3A_255, %add3A_256 : i32
          %lt3A_258 = arith.constant 25 : i32
          %lt3A_259 = arith.cmpi slt, %add3A_257, %lt3A_258 : i32
          %convert_element_type3A_260 = arith.extui %lt3A_259 : i1 to i32
          %cond3A_261 = arith.constant 0 : i32
          %cond3A_262 = arith.cmpi ne, %convert_element_type3A_260, %cond3A_261 : i32
          scf.if %cond3A_262 {
            %add3A_279 = arith.constant 2 : i32
            %add3A_280 = arith.addi %add3A_210, %add3A_279 : i32
            %sub3A = arith.constant 1 : i32
            %sub3A_281 = arith.subi %add3A_280, %sub3A : i32
            %dma_wait3A_282 = arith.constant 0 : i32
            %dma_wait3A_283 = tpu.memref_slice %arg7[%sub3A_281, %dma_wait3A_282] : memref<25x80xi32, #tpu.memory_space<vmem>> -> memref<1x80xi32, #tpu.memory_space<vmem>>
            %dma_wait3A_284 = tpu.memref_squeeze %dma_wait3A_283 : memref<1x80xi32, #tpu.memory_space<vmem>> -> memref<80xi32, #tpu.memory_space<vmem>>
            %dma_wait3A_285 = arith.constant 0 : i32
            %dma_wait3A_286 = arith.constant 0 : i32
            %dma_wait3A_287 = tpu.memref_slice %arg12[%dma_wait3A_285, %dma_wait3A_286] : memref<10240x128xf32, #tpu.memory_space<vmem_shared>> -> memref<10240x128xf32, #tpu.memory_space<vmem_shared>>
            tpu.wait_indirect_dma semaphore(%arg18 : memref<!tpu.dma_semaphore, #tpu.memory_space<semaphore_mem>>) src(%arg9 : memref<80x128xf32, #tpu.memory_space<vmem>>) dst(%dma_wait3A_287 : memref<10240x128xf32, #tpu.memory_space<vmem_shared>>)
            %add3A_288 = arith.constant 2 : i32
            %add3A_289 = arith.addi %add3A_210, %add3A_288 : i32
            %add3A_290 = arith.constant 3 : i32
            %add3A_291 = arith.addi %add3A_289, %add3A_290 : i32
            %dma_start3A_292 = arith.constant 0 : i32
            %dma_start3A_293 = tpu.memref_slice %arg6[%add3A_291, %dma_start3A_292] : memref<25x80xi32, #tpu.memory_space<vmem>> -> memref<1x80xi32, #tpu.memory_space<vmem>>
            %dma_start3A_294 = tpu.memref_squeeze %dma_start3A_293 : memref<1x80xi32, #tpu.memory_space<vmem>> -> memref<80xi32, #tpu.memory_space<vmem>>
            %dma_start3A_295 = arith.constant 0 : i32
            %dma_start3A_296 = arith.constant 0 : i32
            %dma_start3A_297 = tpu.memref_slice %arg2[%dma_start3A_295, %dma_start3A_296] : memref<10000x128xf32, #tpu.memory_space<hbm>> -> memref<10000x128xf32, #tpu.memory_space<hbm>>
            tpu.enqueue_indirect_dma source(%dma_start3A_297 : memref<10000x128xf32, #tpu.memory_space<hbm>>) target(%arg9 : memref<80x128xf32, #tpu.memory_space<vmem>>) offsets(%dma_start3A_294 : memref<80xi32, #tpu.memory_space<vmem>>) semaphore(%arg14 : memref<!tpu.dma_semaphore, #tpu.memory_space<semaphore_mem>>)
          } else {
          }
          %add3A_263 = arith.constant 2 : i32
          %add3A_264 = arith.addi %add3A_210, %add3A_263 : i32
          %dma_wait3A_265 = arith.constant 0 : i32
          %dma_wait3A_266 = tpu.memref_slice %arg6[%add3A_264, %dma_wait3A_265] : memref<25x80xi32, #tpu.memory_space<vmem>> -> memref<1x80xi32, #tpu.memory_space<vmem>>
          %dma_wait3A_267 = tpu.memref_squeeze %dma_wait3A_266 : memref<1x80xi32, #tpu.memory_space<vmem>> -> memref<80xi32, #tpu.memory_space<vmem>>
          %dma_wait3A_268 = arith.constant 0 : i32
          %dma_wait3A_269 = arith.constant 0 : i32
          %dma_wait3A_270 = tpu.memref_slice %arg2[%dma_wait3A_268, %dma_wait3A_269] : memref<10000x128xf32, #tpu.memory_space<hbm>> -> memref<10000x128xf32, #tpu.memory_space<hbm>>
          tpu.wait_indirect_dma semaphore(%arg15 : memref<!tpu.dma_semaphore, #tpu.memory_space<semaphore_mem>>) src(%dma_wait3A_270 : memref<10000x128xf32, #tpu.memory_space<hbm>>) dst(%arg10 : memref<80x128xf32, #tpu.memory_space<vmem>>)
          %add3A_271 = arith.constant 2 : i32
          %add3A_272 = arith.addi %add3A_210, %add3A_271 : i32
          %dma_start3A_273 = arith.constant 0 : i32
          %dma_start3A_274 = tpu.memref_slice %arg7[%add3A_272, %dma_start3A_273] : memref<25x80xi32, #tpu.memory_space<vmem>> -> memref<1x80xi32, #tpu.memory_space<vmem>>
          %dma_start3A_275 = tpu.memref_squeeze %dma_start3A_274 : memref<1x80xi32, #tpu.memory_space<vmem>> -> memref<80xi32, #tpu.memory_space<vmem>>
          %dma_start3A_276 = arith.constant 0 : i32
          %dma_start3A_277 = arith.constant 0 : i32
          %dma_start3A_278 = tpu.memref_slice %arg12[%dma_start3A_276, %dma_start3A_277] : memref<10240x128xf32, #tpu.memory_space<vmem_shared>> -> memref<10240x128xf32, #tpu.memory_space<vmem_shared>>
          tpu.enqueue_indirect_dma source(%arg10 : memref<80x128xf32, #tpu.memory_space<vmem>>) target(%dma_start3A_278 : memref<10240x128xf32, #tpu.memory_space<vmem_shared>>) offsets(%dma_start3A_275 : memref<80xi32, #tpu.memory_space<vmem>>) semaphore(%arg19 : memref<!tpu.dma_semaphore, #tpu.memory_space<semaphore_mem>>) {add = true}
        } else {
        }
        %add3A_247 = arith.constant 3 : i32
        %add3A_248 = arith.addi %add3A_210, %add3A_247 : i32
        %lt3A_249 = arith.constant 25 : i32
        %lt3A_250 = arith.cmpi slt, %add3A_248, %lt3A_249 : i32
        %convert_element_type3A_251 = arith.extui %lt3A_250 : i1 to i32
        %cond3A_252 = arith.constant 0 : i32
        %cond3A_253 = arith.cmpi ne, %convert_element_type3A_251, %cond3A_252 : i32
        scf.if %cond3A_253 {
          %add3A_254 = arith.constant 3 : i32
          %add3A_255 = arith.addi %add3A_210, %add3A_254 : i32
          %add3A_256 = arith.constant 3 : i32
          %add3A_257 = arith.addi %add3A_255, %add3A_256 : i32
          %lt3A_258 = arith.constant 25 : i32
          %lt3A_259 = arith.cmpi slt, %add3A_257, %lt3A_258 : i32
          %convert_element_type3A_260 = arith.extui %lt3A_259 : i1 to i32
          %cond3A_261 = arith.constant 0 : i32
          %cond3A_262 = arith.cmpi ne, %convert_element_type3A_260, %cond3A_261 : i32
          scf.if %cond3A_262 {
            %add3A_279 = arith.constant 3 : i32
            %add3A_280 = arith.addi %add3A_210, %add3A_279 : i32
            %sub3A = arith.constant 1 : i32
            %sub3A_281 = arith.subi %add3A_280, %sub3A : i32
            %dma_wait3A_282 = arith.constant 0 : i32
            %dma_wait3A_283 = tpu.memref_slice %arg7[%sub3A_281, %dma_wait3A_282] : memref<25x80xi32, #tpu.memory_space<vmem>> -> memref<1x80xi32, #tpu.memory_space<vmem>>
            %dma_wait3A_284 = tpu.memref_squeeze %dma_wait3A_283 : memref<1x80xi32, #tpu.memory_space<vmem>> -> memref<80xi32, #tpu.memory_space<vmem>>
            %dma_wait3A_285 = arith.constant 0 : i32
            %dma_wait3A_286 = arith.constant 0 : i32
            %dma_wait3A_287 = tpu.memref_slice %arg12[%dma_wait3A_285, %dma_wait3A_286] : memref<10240x128xf32, #tpu.memory_space<vmem_shared>> -> memref<10240x128xf32, #tpu.memory_space<vmem_shared>>
            tpu.wait_indirect_dma semaphore(%arg19 : memref<!tpu.dma_semaphore, #tpu.memory_space<semaphore_mem>>) src(%arg10 : memref<80x128xf32, #tpu.memory_space<vmem>>) dst(%dma_wait3A_287 : memref<10240x128xf32, #tpu.memory_space<vmem_shared>>)
            %add3A_288 = arith.constant 3 : i32
            %add3A_289 = arith.addi %add3A_210, %add3A_288 : i32
            %add3A_290 = arith.constant 3 : i32
            %add3A_291 = arith.addi %add3A_289, %add3A_290 : i32
            %dma_start3A_292 = arith.constant 0 : i32
            %dma_start3A_293 = tpu.memref_slice %arg6[%add3A_291, %dma_start3A_292] : memref<25x80xi32, #tpu.memory_space<vmem>> -> memref<1x80xi32, #tpu.memory_space<vmem>>
            %dma_start3A_294 = tpu.memref_squeeze %dma_start3A_293 : memref<1x80xi32, #tpu.memory_space<vmem>> -> memref<80xi32, #tpu.memory_space<vmem>>
            %dma_start3A_295 = arith.constant 0 : i32
            %dma_start3A_296 = arith.constant 0 : i32
            %dma_start3A_297 = tpu.memref_slice %arg2[%dma_start3A_295, %dma_start3A_296] : memref<10000x128xf32, #tpu.memory_space<hbm>> -> memref<10000x128xf32, #tpu.memory_space<hbm>>
            tpu.enqueue_indirect_dma source(%dma_start3A_297 : memref<10000x128xf32, #tpu.memory_space<hbm>>) target(%arg10 : memref<80x128xf32, #tpu.memory_space<vmem>>) offsets(%dma_start3A_294 : memref<80xi32, #tpu.memory_space<vmem>>) semaphore(%arg15 : memref<!tpu.dma_semaphore, #tpu.memory_space<semaphore_mem>>)
          } else {
          }
          %add3A_263 = arith.constant 3 : i32
          %add3A_264 = arith.addi %add3A_210, %add3A_263 : i32
          %dma_wait3A_265 = arith.constant 0 : i32
          %dma_wait3A_266 = tpu.memref_slice %arg6[%add3A_264, %dma_wait3A_265] : memref<25x80xi32, #tpu.memory_space<vmem>> -> memref<1x80xi32, #tpu.memory_space<vmem>>
          %dma_wait3A_267 = tpu.memref_squeeze %dma_wait3A_266 : memref<1x80xi32, #tpu.memory_space<vmem>> -> memref<80xi32, #tpu.memory_space<vmem>>
          %dma_wait3A_268 = arith.constant 0 : i32
          %dma_wait3A_269 = arith.constant 0 : i32
          %dma_wait3A_270 = tpu.memref_slice %arg2[%dma_wait3A_268, %dma_wait3A_269] : memref<10000x128xf32, #tpu.memory_space<hbm>> -> memref<10000x128xf32, #tpu.memory_space<hbm>>
          tpu.wait_indirect_dma semaphore(%arg16 : memref<!tpu.dma_semaphore, #tpu.memory_space<semaphore_mem>>) src(%dma_wait3A_270 : memref<10000x128xf32, #tpu.memory_space<hbm>>) dst(%arg11 : memref<80x128xf32, #tpu.memory_space<vmem>>)
          %add3A_271 = arith.constant 3 : i32
          %add3A_272 = arith.addi %add3A_210, %add3A_271 : i32
          %dma_start3A_273 = arith.constant 0 : i32
          %dma_start3A_274 = tpu.memref_slice %arg7[%add3A_272, %dma_start3A_273] : memref<25x80xi32, #tpu.memory_space<vmem>> -> memref<1x80xi32, #tpu.memory_space<vmem>>
          %dma_start3A_275 = tpu.memref_squeeze %dma_start3A_274 : memref<1x80xi32, #tpu.memory_space<vmem>> -> memref<80xi32, #tpu.memory_space<vmem>>
          %dma_start3A_276 = arith.constant 0 : i32
          %dma_start3A_277 = arith.constant 0 : i32
          %dma_start3A_278 = tpu.memref_slice %arg12[%dma_start3A_276, %dma_start3A_277] : memref<10240x128xf32, #tpu.memory_space<vmem_shared>> -> memref<10240x128xf32, #tpu.memory_space<vmem_shared>>
          tpu.enqueue_indirect_dma source(%arg11 : memref<80x128xf32, #tpu.memory_space<vmem>>) target(%dma_start3A_278 : memref<10240x128xf32, #tpu.memory_space<vmem_shared>>) offsets(%dma_start3A_275 : memref<80xi32, #tpu.memory_space<vmem>>) semaphore(%arg20 : memref<!tpu.dma_semaphore, #tpu.memory_space<semaphore_mem>>) {add = true}
        } else {
        }
      }
      %scan3A_177 = arith.constant 7 : i32
      %dma_wait3A_178 = arith.constant 21 : i32
      %dma_wait3A_179 = arith.constant 0 : i32
      %dma_wait3A_180 = tpu.memref_slice %arg7[%dma_wait3A_178, %dma_wait3A_179] : memref<25x80xi32, #tpu.memory_space<vmem>> -> memref<1x80xi32, #tpu.memory_space<vmem>>
      %dma_wait3A_181 = tpu.memref_squeeze %dma_wait3A_180 : memref<1x80xi32, #tpu.memory_space<vmem>> -> memref<80xi32, #tpu.memory_space<vmem>>
      %dma_wait3A_182 = arith.constant 0 : i32
      %dma_wait3A_183 = arith.constant 0 : i32
      %dma_wait3A_184 = tpu.memref_slice %arg12[%dma_wait3A_182, %dma_wait3A_183] : memref<10240x128xf32, #tpu.memory_space<vmem_shared>> -> memref<10240x128xf32, #tpu.memory_space<vmem_shared>>
      tpu.wait_indirect_dma semaphore(%arg18 : memref<!tpu.dma_semaphore, #tpu.memory_space<semaphore_mem>>) src(%arg9 : memref<80x128xf32, #tpu.memory_space<vmem>>) dst(%dma_wait3A_184 : memref<10240x128xf32, #tpu.memory_space<vmem_shared>>)
      %dma_wait3A_185 = arith.constant 22 : i32
      %dma_wait3A_186 = arith.constant 0 : i32
      %dma_wait3A_187 = tpu.memref_slice %arg7[%dma_wait3A_185, %dma_wait3A_186] : memref<25x80xi32, #tpu.memory_space<vmem>> -> memref<1x80xi32, #tpu.memory_space<vmem>>
      %dma_wait3A_188 = tpu.memref_squeeze %dma_wait3A_187 : memref<1x80xi32, #tpu.memory_space<vmem>> -> memref<80xi32, #tpu.memory_space<vmem>>
      %dma_wait3A_189 = arith.constant 0 : i32
      %dma_wait3A_190 = arith.constant 0 : i32
      %dma_wait3A_191 = tpu.memref_slice %arg12[%dma_wait3A_189, %dma_wait3A_190] : memref<10240x128xf32, #tpu.memory_space<vmem_shared>> -> memref<10240x128xf32, #tpu.memory_space<vmem_shared>>
      tpu.wait_indirect_dma semaphore(%arg19 : memref<!tpu.dma_semaphore, #tpu.memory_space<semaphore_mem>>) src(%arg10 : memref<80x128xf32, #tpu.memory_space<vmem>>) dst(%dma_wait3A_191 : memref<10240x128xf32, #tpu.memory_space<vmem_shared>>)
      %dma_wait3A_192 = arith.constant 23 : i32
      %dma_wait3A_193 = arith.constant 0 : i32
      %dma_wait3A_194 = tpu.memref_slice %arg7[%dma_wait3A_192, %dma_wait3A_193] : memref<25x80xi32, #tpu.memory_space<vmem>> -> memref<1x80xi32, #tpu.memory_space<vmem>>
      %dma_wait3A_195 = tpu.memref_squeeze %dma_wait3A_194 : memref<1x80xi32, #tpu.memory_space<vmem>> -> memref<80xi32, #tpu.memory_space<vmem>>
      %dma_wait3A_196 = arith.constant 0 : i32
      %dma_wait3A_197 = arith.constant 0 : i32
      %dma_wait3A_198 = tpu.memref_slice %arg12[%dma_wait3A_196, %dma_wait3A_197] : memref<10240x128xf32, #tpu.memory_space<vmem_shared>> -> memref<10240x128xf32, #tpu.memory_space<vmem_shared>>
      tpu.wait_indirect_dma semaphore(%arg20 : memref<!tpu.dma_semaphore, #tpu.memory_space<semaphore_mem>>) src(%arg11 : memref<80x128xf32, #tpu.memory_space<vmem>>) dst(%dma_wait3A_198 : memref<10240x128xf32, #tpu.memory_space<vmem_shared>>)
      %dma_wait3A_199 = arith.constant 24 : i32
      %dma_wait3A_200 = arith.constant 0 : i32
      %dma_wait3A_201 = tpu.memref_slice %arg7[%dma_wait3A_199, %dma_wait3A_200] : memref<25x80xi32, #tpu.memory_space<vmem>> -> memref<1x80xi32, #tpu.memory_space<vmem>>
      %dma_wait3A_202 = tpu.memref_squeeze %dma_wait3A_201 : memref<1x80xi32, #tpu.memory_space<vmem>> -> memref<80xi32, #tpu.memory_space<vmem>>
      %dma_wait3A_203 = arith.constant 0 : i32
      %dma_wait3A_204 = arith.constant 0 : i32
      %dma_wait3A_205 = tpu.memref_slice %arg12[%dma_wait3A_203, %dma_wait3A_204] : memref<10240x128xf32, #tpu.memory_space<vmem_shared>> -> memref<10240x128xf32, #tpu.memory_space<vmem_shared>>
      tpu.wait_indirect_dma semaphore(%arg17 : memref<!tpu.dma_semaphore, #tpu.memory_space<semaphore_mem>>) src(%arg8 : memref<80x128xf32, #tpu.memory_space<vmem>>) dst(%dma_wait3A_205 : memref<10240x128xf32, #tpu.memory_space<vmem_shared>>)
    }
    %scan3A_135 = arith.constant 5 : i32
    %barrier3A_136 = arith.constant 0 : index
    tpu.barrier barrier_id(%barrier3A_136)
    %mul3A_137 = arith.constant 640 : i32
    %mul3A_138 = arith.muli %arg1, %mul3A_137 : i32
    %mul3A_139 = arith.constant 640 : i32
    %mul3A_140 = arith.muli %arg1, %mul3A_139 : i32
    "tpu.region"() ({
      %run_scoped3A = tpu.sem_alloc : memref<!tpu.dma_semaphore, #tpu.memory_space<semaphore_mem>>
      %dma_start3A_141 = arith.constant 0 : i32
      %dma_start3A_142 = tpu.memref_slice %arg5[%arg0, %mul3A_140, %dma_start3A_141] : memref<2x10240x128xf32, #tpu.memory_space<hbm>> -> memref<1x640x128xf32, #tpu.memory_space<hbm>>
      %dma_start3A_143 = tpu.memref_squeeze %dma_start3A_142 : memref<1x640x128xf32, #tpu.memory_space<hbm>> -> memref<640x128xf32, #tpu.memory_space<hbm>>
      %dma_start3A_144 = arith.constant 0 : i32
      %dma_start3A_145 = tpu.memref_slice %arg12[%mul3A_138, %dma_start3A_144] : memref<10240x128xf32, #tpu.memory_space<vmem_shared>> -> memref<640x128xf32, #tpu.memory_space<vmem_shared>>
      tpu.enqueue_dma source(%dma_start3A_145 : memref<640x128xf32, #tpu.memory_space<vmem_shared>>) target(%dma_start3A_143 : memref<640x128xf32, #tpu.memory_space<hbm>>) target_semaphore(%run_scoped3A : memref<!tpu.dma_semaphore, #tpu.memory_space<semaphore_mem>>)
      %dma_wait3A_146 = arith.constant 0 : i32
      %dma_wait3A_147 = tpu.memref_slice %arg5[%arg0, %mul3A_140, %dma_wait3A_146] : memref<2x10240x128xf32, #tpu.memory_space<hbm>> -> memref<1x640x128xf32, #tpu.memory_space<hbm>>
      %dma_wait3A_148 = tpu.memref_squeeze %dma_wait3A_147 : memref<1x640x128xf32, #tpu.memory_space<hbm>> -> memref<640x128xf32, #tpu.memory_space<hbm>>
      %dma_wait3A_149 = arith.constant 0 : i32
      %dma_wait3A_150 = tpu.memref_slice %arg12[%mul3A_138, %dma_wait3A_149] : memref<10240x128xf32, #tpu.memory_space<vmem_shared>> -> memref<640x128xf32, #tpu.memory_space<vmem_shared>>
      tpu.wait_dma2 semaphore(%run_scoped3A : memref<!tpu.dma_semaphore, #tpu.memory_space<semaphore_mem>>) src(%dma_wait3A_150 : memref<640x128xf32, #tpu.memory_space<vmem_shared>>) dst(%dma_wait3A_148 : memref<640x128xf32, #tpu.memory_space<hbm>>)
      tpu.yield
    }) : () -> ()
    return
  }
}

module attributes {stable_mosaic.version = 14 : i64} {
  func.func @_fc1_body(%arg0: i32, %arg1: memref<1000x128xf32, #tpu.memory_space<vmem>>, %arg2: memref<4x128x128xf32, #tpu.memory_space<vmem>>, %arg3: memref<4x128xf32, #tpu.memory_space<vmem>>, %arg4: memref<1000x128xf32, #tpu.memory_space<vmem>>, %arg5: memref<1000x128xf32, #tpu.memory_space<vmem>>) attributes {dimension_semantics = [#tpu.dimension_semantics<arbitrary>], iteration_bounds = array<i64: 10>, scalar_prefetch = 0 : i64, scratch_operands = 0 : i64, tpu.core_type = #tpu.core_type<tc>, window_params = [{transform_indices = @transform_0, window_bounds = array<i64: 1000, 128>}, {pipeline_mode = #tpu.pipeline_mode<synchronous>, transform_indices = @transform_1, window_bounds = array<i64: 4, 128, 128>}, {pipeline_mode = #tpu.pipeline_mode<synchronous>, transform_indices = @transform_2, window_bounds = array<i64: 4, 128>}, {transform_indices = @transform_3, window_bounds = array<i64: 1000, 128>}, {transform_indices = @transform_4, window_bounds = array<i64: 1000, 128>}]} {
    %get3A = arith.constant 0 : index
    %get3A_0 = arith.constant 0 : index
    %get3A_1 = vector.load %arg1[%get3A, %get3A_0] : memref<1000x128xf32, #tpu.memory_space<vmem>>, vector<1000x128xf32>
    %get3A_2 = arith.constant 0 : index
    %get3A_3 = arith.constant 0 : index
    %get3A_4 = arith.constant 0 : index
    %get3A_5 = vector.load %arg2[%get3A_2, %get3A_3, %get3A_4] : memref<4x128x128xf32, #tpu.memory_space<vmem>>, vector<4x128x128xf32>
    %get3A_6 = arith.constant 0 : index
    %get3A_7 = arith.constant 0 : index
    %get3A_8 = vector.load %arg3[%get3A_6, %get3A_7] : memref<4x128xf32, #tpu.memory_space<vmem>>, vector<4x128xf32>
    %slice3A = vector.extract_strided_slice %get3A_5 {offsets = [0, 0, 0], sizes = [1, 128, 128], strides = [1, 1, 1]} : vector<4x128x128xf32> to vector<1x128x128xf32>
    %squeeze3A = vector.shape_cast %slice3A : vector<1x128x128xf32> to vector<128x128xf32>
    %dot_general3A = arith.constant dense<0.000000e+00> : vector<1000x128xf32>
    %dot_general3A_9 = tpu.matmul %get3A_1, %squeeze3A, %dot_general3A {dimension_numbers = #tpu.dot_dimension_numbers<[1], [0], [0], [1], [0, 0, 1, 1], [], []>, transpose_lhs_hint = false} : vector<1000x128xf32>, vector<128x128xf32>, vector<1000x128xf32> -> vector<1000x128xf32>
    %slice3A_10 = vector.extract_strided_slice %get3A_8 {offsets = [0, 0], sizes = [1, 128], strides = [1, 1]} : vector<4x128xf32> to vector<1x128xf32>
    %add3A = vector.broadcast %slice3A_10 : vector<1x128xf32> to vector<1000x128xf32>
    %add3A_11 = arith.addf %dot_general3A_9, %add3A : vector<1000x128xf32>
    %max3A = arith.constant 0.000000e+00 : f32
    %max3A_12 = vector.broadcast %max3A : f32 to vector<1000x128xf32>
    %max3A_13 = arith.maximumf %add3A_11, %max3A_12 : vector<1000x128xf32>
    %slice3A_14 = vector.extract_strided_slice %get3A_5 {offsets = [1, 0, 0], sizes = [1, 128, 128], strides = [1, 1, 1]} : vector<4x128x128xf32> to vector<1x128x128xf32>
    %squeeze3A_15 = vector.shape_cast %slice3A_14 : vector<1x128x128xf32> to vector<128x128xf32>
    %dot_general3A_16 = arith.constant dense<0.000000e+00> : vector<1000x128xf32>
    %dot_general3A_17 = tpu.matmul %max3A_13, %squeeze3A_15, %dot_general3A_16 {dimension_numbers = #tpu.dot_dimension_numbers<[1], [0], [0], [1], [0, 0, 1, 1], [], []>, transpose_lhs_hint = false} : vector<1000x128xf32>, vector<128x128xf32>, vector<1000x128xf32> -> vector<1000x128xf32>
    %slice3A_18 = vector.extract_strided_slice %get3A_8 {offsets = [1, 0], sizes = [1, 128], strides = [1, 1]} : vector<4x128xf32> to vector<1x128xf32>
    %add3A_19 = vector.broadcast %slice3A_18 : vector<1x128xf32> to vector<1000x128xf32>
    %add3A_20 = arith.addf %dot_general3A_17, %add3A_19 : vector<1000x128xf32>
    %max3A_21 = arith.constant 0.000000e+00 : f32
    %max3A_22 = vector.broadcast %max3A_21 : f32 to vector<1000x128xf32>
    %max3A_23 = arith.maximumf %add3A_20, %max3A_22 : vector<1000x128xf32>
    %slice3A_24 = vector.extract_strided_slice %get3A_5 {offsets = [2, 0, 0], sizes = [1, 128, 128], strides = [1, 1, 1]} : vector<4x128x128xf32> to vector<1x128x128xf32>
    %squeeze3A_25 = vector.shape_cast %slice3A_24 : vector<1x128x128xf32> to vector<128x128xf32>
    %dot_general3A_26 = arith.constant dense<0.000000e+00> : vector<1000x128xf32>
    %dot_general3A_27 = tpu.matmul %max3A_23, %squeeze3A_25, %dot_general3A_26 {dimension_numbers = #tpu.dot_dimension_numbers<[1], [0], [0], [1], [0, 0, 1, 1], [], []>, transpose_lhs_hint = false} : vector<1000x128xf32>, vector<128x128xf32>, vector<1000x128xf32> -> vector<1000x128xf32>
    %slice3A_28 = vector.extract_strided_slice %get3A_8 {offsets = [2, 0], sizes = [1, 128], strides = [1, 1]} : vector<4x128xf32> to vector<1x128xf32>
    %add3A_29 = vector.broadcast %slice3A_28 : vector<1x128xf32> to vector<1000x128xf32>
    %add3A_30 = arith.addf %dot_general3A_27, %add3A_29 : vector<1000x128xf32>
    %max3A_31 = arith.constant 0.000000e+00 : f32
    %max3A_32 = vector.broadcast %max3A_31 : f32 to vector<1000x128xf32>
    %max3A_33 = arith.maximumf %add3A_30, %max3A_32 : vector<1000x128xf32>
    %slice3A_34 = vector.extract_strided_slice %get3A_5 {offsets = [3, 0, 0], sizes = [1, 128, 128], strides = [1, 1, 1]} : vector<4x128x128xf32> to vector<1x128x128xf32>
    %squeeze3A_35 = vector.shape_cast %slice3A_34 : vector<1x128x128xf32> to vector<128x128xf32>
    %dot_general3A_36 = arith.constant dense<0.000000e+00> : vector<1000x128xf32>
    %dot_general3A_37 = tpu.matmul %max3A_33, %squeeze3A_35, %dot_general3A_36 {dimension_numbers = #tpu.dot_dimension_numbers<[1], [0], [0], [1], [0, 0, 1, 1], [], []>, transpose_lhs_hint = false} : vector<1000x128xf32>, vector<128x128xf32>, vector<1000x128xf32> -> vector<1000x128xf32>
    %slice3A_38 = vector.extract_strided_slice %get3A_8 {offsets = [3, 0], sizes = [1, 128], strides = [1, 1]} : vector<4x128xf32> to vector<1x128xf32>
    %add3A_39 = vector.broadcast %slice3A_38 : vector<1x128xf32> to vector<1000x128xf32>
    %add3A_40 = arith.addf %dot_general3A_37, %add3A_39 : vector<1000x128xf32>
    %ge3A = arith.constant 0.000000e+00 : f32
    %ge3A_41 = vector.broadcast %ge3A : f32 to vector<1000x128xf32>
    %ge3A_42 = arith.cmpf oge, %add3A_40, %ge3A_41 : vector<1000x128xf32>
    %mul3A = arith.constant 0.00999999977 : f32
    %mul3A_43 = vector.broadcast %mul3A : f32 to vector<1000x128xf32>
    %mul3A_44 = arith.mulf %mul3A_43, %add3A_40 : vector<1000x128xf32>
    %select_n3A = arith.select %ge3A_42, %add3A_40, %mul3A_44 : vector<1000x128xi1>, vector<1000x128xf32>
    %swap3A = arith.constant 0 : index
    %swap3A_45 = arith.constant 0 : index
    %swap3A_46 = vector.load %arg4[%swap3A, %swap3A_45] : memref<1000x128xf32, #tpu.memory_space<vmem>>, vector<1000x128xf32>
    tpu.vector_store %arg4[%swap3A, %swap3A_45], %select_n3A {strides = array<i32>} : memref<1000x128xf32, #tpu.memory_space<vmem>>, vector<1000x128xf32>,
    %max3A_47 = arith.constant 0.000000e+00 : f32
    %max3A_48 = vector.broadcast %max3A_47 : f32 to vector<1000x128xf32>
    %max3A_49 = arith.maximumf %select_n3A, %max3A_48 : vector<1000x128xf32>
    %swap3A_50 = arith.constant 0 : index
    %swap3A_51 = arith.constant 0 : index
    %swap3A_52 = vector.load %arg5[%swap3A_50, %swap3A_51] : memref<1000x128xf32, #tpu.memory_space<vmem>>, vector<1000x128xf32>
    tpu.vector_store %arg5[%swap3A_50, %swap3A_51], %max3A_49 {strides = array<i32>} : memref<1000x128xf32, #tpu.memory_space<vmem>>, vector<1000x128xf32>,
    return
  }
  func.func @transform_0(%arg0: i32) -> (i32, i32) {
    %c0_i32 = arith.constant 0 : i32
    %c0_i32_0 = arith.constant 0 : i32
    return %arg0, %c0_i32 : i32, i32
  }
  func.func @transform_1(%arg0: i32) -> (i32, i32, i32) {
    %c0_i32 = arith.constant 0 : i32
    %c0_i32_0 = arith.constant 0 : i32
    %c0_i32_1 = arith.constant 0 : i32
    %c0_i32_2 = arith.constant 0 : i32
    return %c0_i32, %c0_i32_0, %c0_i32_1 : i32, i32, i32
  }
  func.func @transform_2(%arg0: i32) -> (i32, i32) {
    %c0_i32 = arith.constant 0 : i32
    %c0_i32_0 = arith.constant 0 : i32
    %c0_i32_1 = arith.constant 0 : i32
    return %c0_i32, %c0_i32_0 : i32, i32
  }
  func.func @transform_3(%arg0: i32) -> (i32, i32) {
    %c0_i32 = arith.constant 0 : i32
    %c0_i32_0 = arith.constant 0 : i32
    return %arg0, %c0_i32 : i32, i32
  }
  func.func @transform_4(%arg0: i32) -> (i32, i32) {
    %c0_i32 = arith.constant 0 : i32
    %c0_i32_0 = arith.constant 0 : i32
    return %arg0, %c0_i32 : i32, i32
  }
}

module attributes {stable_mosaic.version = 14 : i64} {
  func.func @_post_body(%arg0: i32, %arg1: memref<10xi32, #tpu.memory_space<smem>>, %arg2: memref<10xi32, #tpu.memory_space<smem>>, %arg3: memref<65xi32, #tpu.memory_space<smem>>, %arg4: memref<1000x128xf32, #tpu.memory_space<vmem>>, %arg5: memref<2x1000x128xf32, #tpu.memory_space<vmem>>, %arg6: memref<128x128xf32, #tpu.memory_space<vmem>>, %arg7: memref<1x128xf32, #tpu.memory_space<vmem>>, %arg8: memref<128x128xf32, #tpu.memory_space<vmem>>, %arg9: memref<1x128xf32, #tpu.memory_space<vmem>>, %arg10: memref<4x128x128xf32, #tpu.memory_space<vmem>>, %arg11: memref<4x128xf32, #tpu.memory_space<vmem>>, %arg12: memref<64x128xf32, #tpu.memory_space<vmem>>, %arg13: memref<64x128xf32, #tpu.memory_space<vmem>>) attributes {dimension_semantics = [#tpu.dimension_semantics<arbitrary>], iteration_bounds = array<i64: 10>, scalar_prefetch = 0 : i64, scratch_operands = 1 : i64, tpu.core_type = #tpu.core_type<tc>, window_params = [{transform_indices = @transform_0, window_bounds = array<i64: 10>}, {transform_indices = @transform_1, window_bounds = array<i64: 10>}, {transform_indices = @transform_2, window_bounds = array<i64: 65>}, {transform_indices = @transform_3, window_bounds = array<i64: 1000, 128>}, {transform_indices = @transform_4, window_bounds = array<i64: 2, 1000, 128>}, {pipeline_mode = #tpu.pipeline_mode<synchronous>, transform_indices = @transform_5, window_bounds = array<i64: 128, 128>}, {pipeline_mode = #tpu.pipeline_mode<synchronous>, transform_indices = @transform_6, window_bounds = array<i64: 1, 128>}, {pipeline_mode = #tpu.pipeline_mode<synchronous>, transform_indices = @transform_7, window_bounds = array<i64: 128, 128>}, {pipeline_mode = #tpu.pipeline_mode<synchronous>, transform_indices = @transform_8, window_bounds = array<i64: 1, 128>}, {pipeline_mode = #tpu.pipeline_mode<synchronous>, transform_indices = @transform_9, window_bounds = array<i64: 4, 128, 128>}, {pipeline_mode = #tpu.pipeline_mode<synchronous>, transform_indices = @transform_10, window_bounds = array<i64: 4, 128>}, {pipeline_mode = #tpu.pipeline_mode<synchronous>, transform_indices = @transform_11, window_bounds = array<i64: 64, 128>}]} {
    %get3A = arith.constant 0 : index
    %get3A_0 = arith.constant 0 : index
    %get3A_1 = vector.load %arg4[%get3A, %get3A_0] : memref<1000x128xf32, #tpu.memory_space<vmem>>, vector<1000x128xf32>
    %get3A_2 = arith.constant 0 : index
    %get3A_3 = arith.constant 0 : index
    %get3A_4 = arith.constant 0 : index
    %get3A_5 = vector.load %arg5[%get3A_2, %get3A_3, %get3A_4] : memref<2x1000x128xf32, #tpu.memory_space<vmem>>, vector<1x1000x128xf32>
    %get3A_6 = vector.shape_cast %get3A_5 : vector<1x1000x128xf32> to vector<1000x128xf32>
    %add3A = arith.addf %get3A_1, %get3A_6 : vector<1000x128xf32>
    %get3A_7 = arith.constant 1 : index
    %get3A_8 = arith.constant 0 : index
    %get3A_9 = arith.constant 0 : index
    %get3A_10 = vector.load %arg5[%get3A_7, %get3A_8, %get3A_9] : memref<2x1000x128xf32, #tpu.memory_space<vmem>>, vector<1x1000x128xf32>
    %get3A_11 = vector.shape_cast %get3A_10 : vector<1x1000x128xf32> to vector<1000x128xf32>
    %add3A_12 = arith.addf %add3A, %get3A_11 : vector<1000x128xf32>
    %get3A_13 = arith.constant 0 : index
    %get3A_14 = arith.constant 0 : index
    %get3A_15 = vector.load %arg6[%get3A_13, %get3A_14] : memref<128x128xf32, #tpu.memory_space<vmem>>, vector<128x128xf32>
    %dot_general3A = arith.constant dense<0.000000e+00> : vector<1000x128xf32>
    %dot_general3A_16 = tpu.matmul %add3A_12, %get3A_15, %dot_general3A {dimension_numbers = #tpu.dot_dimension_numbers<[1], [0], [0], [1], [0, 0, 1, 1], [], []>, transpose_lhs_hint = false} : vector<1000x128xf32>, vector<128x128xf32>, vector<1000x128xf32> -> vector<1000x128xf32>
    %get3A_17 = arith.constant 0 : index
    %get3A_18 = arith.constant 0 : index
    %get3A_19 = vector.load %arg7[%get3A_17, %get3A_18] : memref<1x128xf32, #tpu.memory_space<vmem>>, vector<1x128xf32>
    %add3A_20 = vector.broadcast %get3A_19 : vector<1x128xf32> to vector<1000x128xf32>
    %add3A_21 = arith.addf %dot_general3A_16, %add3A_20 : vector<1000x128xf32>
    %max3A = arith.constant 0.000000e+00 : f32
    %max3A_22 = vector.broadcast %max3A : f32 to vector<1000x128xf32>
    %max3A_23 = arith.maximumf %add3A_21, %max3A_22 : vector<1000x128xf32>
    %get3A_24 = arith.constant 0 : index
    %get3A_25 = arith.constant 0 : index
    %get3A_26 = vector.load %arg8[%get3A_24, %get3A_25] : memref<128x128xf32, #tpu.memory_space<vmem>>, vector<128x128xf32>
    %dot_general3A_27 = arith.constant dense<0.000000e+00> : vector<1000x128xf32>
    %dot_general3A_28 = tpu.matmul %max3A_23, %get3A_26, %dot_general3A_27 {dimension_numbers = #tpu.dot_dimension_numbers<[1], [0], [0], [1], [0, 0, 1, 1], [], []>, transpose_lhs_hint = false} : vector<1000x128xf32>, vector<128x128xf32>, vector<1000x128xf32> -> vector<1000x128xf32>
    %get3A_29 = arith.constant 0 : index
    %get3A_30 = arith.constant 0 : index
    %get3A_31 = vector.load %arg9[%get3A_29, %get3A_30] : memref<1x128xf32, #tpu.memory_space<vmem>>, vector<1x128xf32>
    %add3A_32 = vector.broadcast %get3A_31 : vector<1x128xf32> to vector<1000x128xf32>
    %add3A_33 = arith.addf %dot_general3A_28, %add3A_32 : vector<1000x128xf32>
    %ge3A = arith.constant 0.000000e+00 : f32
    %ge3A_34 = vector.broadcast %ge3A : f32 to vector<1000x128xf32>
    %ge3A_35 = arith.cmpf oge, %add3A_33, %ge3A_34 : vector<1000x128xf32>
    %mul3A = arith.constant 0.00999999977 : f32
    %mul3A_36 = vector.broadcast %mul3A : f32 to vector<1000x128xf32>
    %mul3A_37 = arith.mulf %mul3A_36, %add3A_33 : vector<1000x128xf32>
    %select_n3A = arith.select %ge3A_35, %add3A_33, %mul3A_37 : vector<1000x128xi1>, vector<1000x128xf32>
    %eq3A = arith.constant 0 : i32
    %eq3A_38 = arith.cmpi eq, %arg0, %eq3A : i32
    %convert_element_type3A = arith.extui %eq3A_38 : i1 to i32
    %cond3A = arith.constant 0 : i32
    %cond3A_39 = arith.cmpi ne, %convert_element_type3A, %cond3A : i32
    scf.if %cond3A_39 {
      %broadcast_in_dim3A = arith.constant 0xFF800000 : f32
      %broadcast_in_dim3A_70 = vector.broadcast %broadcast_in_dim3A : f32 to vector<64x128xf32>
      %swap3A_71 = arith.constant 0 : index
      %swap3A_72 = arith.constant 0 : index
      %swap3A_73 = vector.load %arg13[%swap3A_71, %swap3A_72] : memref<64x128xf32, #tpu.memory_space<vmem>>, vector<64x128xf32>
      tpu.vector_store %arg13[%swap3A_71, %swap3A_72], %broadcast_in_dim3A_70 {strides = array<i32>} : memref<64x128xf32, #tpu.memory_space<vmem>>, vector<64x128xf32>,
    } else {
    }
    %iota3A = tpu.iota {dimensions = array<i32: 0>} : vector<1000x1xi32>
    %mul3A_40 = arith.constant 1000 : i32
    %mul3A_41 = arith.muli %arg0, %mul3A_40 : i32
    %add3A_42 = vector.broadcast %mul3A_41 : i32 to vector<1000x1xi32>
    %add3A_43 = arith.addi %iota3A, %add3A_42 : vector<1000x1xi32>
    %iota3A_44 = tpu.iota {dimensions = array<i32: 0>} : vector<64x1xi32>
    %get3A_45 = arith.index_cast %arg0 : i32 to index
    %get3A_46 = memref.load %arg1[%get3A_45] : memref<10xi32, #tpu.memory_space<smem>>
    %get3A_47 = arith.index_cast %arg0 : i32 to index
    %get3A_48 = memref.load %arg2[%get3A_47] : memref<10xi32, #tpu.memory_space<smem>>
    %add3A_49 = arith.constant 1 : i32
    %add3A_50 = arith.addi %get3A_48, %add3A_49 : i32
    %get3A_51 = arith.constant 0 : index
    %get3A_52 = arith.constant 0 : index
    %get3A_53 = vector.load %arg13[%get3A_51, %get3A_52] : memref<64x128xf32, #tpu.memory_space<vmem>>, vector<64x128xf32>
    %while3A = arith.subi %add3A_50, %get3A_46 : i32
    %while3A_54 = arith.addi %get3A_46, %while3A : i32
    %while3A_55 = arith.constant 1 : i32
    %while3A_56 = arith.divsi %while3A, %while3A_55 : i32
    %while3A_57 = arith.muli %while3A_56, %while3A_55 : i32
    %while3A_58 = arith.addi %get3A_46, %while3A_57 : i32
    %while3A_59 = arith.constant 1 : i32
    %while3A_60 = scf.for %while3A_70 = %get3A_46 to %while3A_58 step %while3A_59 iter_args(%while3A_71 = %get3A_53) -> (vector<64x128xf32>)  : i32 {
      %get3A_72 = arith.index_cast %while3A_70 : i32 to index
      %get3A_73 = memref.load %arg3[%get3A_72] : memref<65xi32, #tpu.memory_space<smem>>
      %ge3A_74 = vector.broadcast %get3A_73 : i32 to vector<1000x1xi32>
      %ge3A_75 = arith.cmpi sge, %add3A_43, %ge3A_74 : vector<1000x1xi32>
      %add3A_76 = arith.constant 1 : i32
      %add3A_77 = arith.addi %while3A_70, %add3A_76 : i32
      %get3A_78 = arith.index_cast %add3A_77 : i32 to index
      %get3A_79 = memref.load %arg3[%get3A_78] : memref<65xi32, #tpu.memory_space<smem>>
      %lt3A = vector.broadcast %get3A_79 : i32 to vector<1000x1xi32>
      %lt3A_80 = arith.cmpi slt, %add3A_43, %lt3A : vector<1000x1xi32>
      %and3A = arith.andi %ge3A_75, %lt3A_80 : vector<1000x1xi1>
      %jit3A = arith.constant 0xFF800000 : f32
      %broadcast_in_dim3A = vector.shape_cast %and3A : vector<1000x1xi1> to vector<1000x1xi1>
      %broadcast_in_dim3A_81 = vector.broadcast %broadcast_in_dim3A : vector<1000x1xi1> to vector<1000x128xi1>
      %broadcast_in_dim3A_82 = vector.broadcast %jit3A : f32 to vector<1000x128xf32>
      %select_n3A_83 = arith.select %broadcast_in_dim3A_81, %select_n3A, %broadcast_in_dim3A_82 : vector<1000x128xi1>, vector<1000x128xf32>
      %reduce_max3A = arith.constant dense<0xFF800000> : vector<128xf32>
      %reduce_max3A_84 = vector.multi_reduction <maximumf>, %select_n3A_83, %reduce_max3A [0] : vector<1000x128xf32> to vector<128xf32>
      %eq3A_85 = vector.broadcast %while3A_70 : i32 to vector<64x1xi32>
      %eq3A_86 = arith.cmpi eq, %iota3A_44, %eq3A_85 : vector<64x1xi32>
      %broadcast_in_dim3A_87 = vector.shape_cast %reduce_max3A_84 : vector<128xf32> to vector<1x128xf32>
      %max3A_88 = vector.broadcast %broadcast_in_dim3A_87 : vector<1x128xf32> to vector<64x128xf32>
      %max3A_89 = arith.maximumf %while3A_71, %max3A_88 : vector<64x128xf32>
      %broadcast_in_dim3A_90 = vector.shape_cast %eq3A_86 : vector<64x1xi1> to vector<64x1xi1>
      %broadcast_in_dim3A_91 = vector.broadcast %broadcast_in_dim3A_90 : vector<64x1xi1> to vector<64x128xi1>
      %select_n3A_92 = arith.select %broadcast_in_dim3A_91, %max3A_89, %while3A_71 : vector<64x128xi1>, vector<64x128xf32>
      scf.yield %select_n3A_92 : vector<64x128xf32>
    }
    %while3A_61 = arith.constant 1 : i32
    %while3A_62 = scf.for %while3A_70 = %while3A_58 to %while3A_54 step %while3A_61 iter_args(%while3A_71 = %while3A_60) -> (vector<64x128xf32>)  : i32 {
      %get3A_72 = arith.index_cast %while3A_70 : i32 to index
      %get3A_73 = memref.load %arg3[%get3A_72] : memref<65xi32, #tpu.memory_space<smem>>
      %ge3A_74 = vector.broadcast %get3A_73 : i32 to vector<1000x1xi32>
      %ge3A_75 = arith.cmpi sge, %add3A_43, %ge3A_74 : vector<1000x1xi32>
      %add3A_76 = arith.constant 1 : i32
      %add3A_77 = arith.addi %while3A_70, %add3A_76 : i32
      %get3A_78 = arith.index_cast %add3A_77 : i32 to index
      %get3A_79 = memref.load %arg3[%get3A_78] : memref<65xi32, #tpu.memory_space<smem>>
      %lt3A = vector.broadcast %get3A_79 : i32 to vector<1000x1xi32>
      %lt3A_80 = arith.cmpi slt, %add3A_43, %lt3A : vector<1000x1xi32>
      %and3A = arith.andi %ge3A_75, %lt3A_80 : vector<1000x1xi1>
      %jit3A = arith.constant 0xFF800000 : f32
      %broadcast_in_dim3A = vector.shape_cast %and3A : vector<1000x1xi1> to vector<1000x1xi1>
      %broadcast_in_dim3A_81 = vector.broadcast %broadcast_in_dim3A : vector<1000x1xi1> to vector<1000x128xi1>
      %broadcast_in_dim3A_82 = vector.broadcast %jit3A : f32 to vector<1000x128xf32>
      %select_n3A_83 = arith.select %broadcast_in_dim3A_81, %select_n3A, %broadcast_in_dim3A_82 : vector<1000x128xi1>, vector<1000x128xf32>
      %reduce_max3A = arith.constant dense<0xFF800000> : vector<128xf32>
      %reduce_max3A_84 = vector.multi_reduction <maximumf>, %select_n3A_83, %reduce_max3A [0] : vector<1000x128xf32> to vector<128xf32>
      %eq3A_85 = vector.broadcast %while3A_70 : i32 to vector<64x1xi32>
      %eq3A_86 = arith.cmpi eq, %iota3A_44, %eq3A_85 : vector<64x1xi32>
      %broadcast_in_dim3A_87 = vector.shape_cast %reduce_max3A_84 : vector<128xf32> to vector<1x128xf32>
      %max3A_88 = vector.broadcast %broadcast_in_dim3A_87 : vector<1x128xf32> to vector<64x128xf32>
      %max3A_89 = arith.maximumf %while3A_71, %max3A_88 : vector<64x128xf32>
      %broadcast_in_dim3A_90 = vector.shape_cast %eq3A_86 : vector<64x1xi1> to vector<64x1xi1>
      %broadcast_in_dim3A_91 = vector.broadcast %broadcast_in_dim3A_90 : vector<64x1xi1> to vector<64x128xi1>
      %select_n3A_92 = arith.select %broadcast_in_dim3A_91, %max3A_89, %while3A_71 : vector<64x128xi1>, vector<64x128xf32>
      scf.yield %select_n3A_92 : vector<64x128xf32>
    }
    %swap3A = arith.constant 0 : index
    %swap3A_63 = arith.constant 0 : index
    %swap3A_64 = vector.load %arg13[%swap3A, %swap3A_63] : memref<64x128xf32, #tpu.memory_space<vmem>>, vector<64x128xf32>
    tpu.vector_store %arg13[%swap3A, %swap3A_63], %while3A_62 {strides = array<i32>} : memref<64x128xf32, #tpu.memory_space<vmem>>, vector<64x128xf32>,
    %eq3A_65 = arith.constant 9 : i32
    %eq3A_66 = arith.cmpi eq, %arg0, %eq3A_65 : i32
    %convert_element_type3A_67 = arith.extui %eq3A_66 : i1 to i32
    %cond3A_68 = arith.constant 0 : i32
    %cond3A_69 = arith.cmpi ne, %convert_element_type3A_67, %cond3A_68 : i32
    scf.if %cond3A_69 {
      %get3A_70 = arith.constant 0 : index
      %get3A_71 = arith.constant 0 : index
      %get3A_72 = vector.load %arg13[%get3A_70, %get3A_71] : memref<64x128xf32, #tpu.memory_space<vmem>>, vector<64x128xf32>
      %get3A_73 = arith.constant 0 : index
      %get3A_74 = arith.constant 0 : index
      %get3A_75 = arith.constant 0 : index
      %get3A_76 = vector.load %arg10[%get3A_73, %get3A_74, %get3A_75] : memref<4x128x128xf32, #tpu.memory_space<vmem>>, vector<4x128x128xf32>
      %get3A_77 = arith.constant 0 : index
      %get3A_78 = arith.constant 0 : index
      %get3A_79 = vector.load %arg11[%get3A_77, %get3A_78] : memref<4x128xf32, #tpu.memory_space<vmem>>, vector<4x128xf32>
      %slice3A = vector.extract_strided_slice %get3A_76 {offsets = [0, 0, 0], sizes = [1, 128, 128], strides = [1, 1, 1]} : vector<4x128x128xf32> to vector<1x128x128xf32>
      %squeeze3A = vector.shape_cast %slice3A : vector<1x128x128xf32> to vector<128x128xf32>
      %dot_general3A_80 = arith.constant dense<0.000000e+00> : vector<64x128xf32>
      %dot_general3A_81 = tpu.matmul %get3A_72, %squeeze3A, %dot_general3A_80 {dimension_numbers = #tpu.dot_dimension_numbers<[1], [0], [0], [1], [0, 0, 1, 1], [], []>, transpose_lhs_hint = false} : vector<64x128xf32>, vector<128x128xf32>, vector<64x128xf32> -> vector<64x128xf32>
      %slice3A_82 = vector.extract_strided_slice %get3A_79 {offsets = [0, 0], sizes = [1, 128], strides = [1, 1]} : vector<4x128xf32> to vector<1x128xf32>
      %add3A_83 = vector.broadcast %slice3A_82 : vector<1x128xf32> to vector<64x128xf32>
      %add3A_84 = arith.addf %dot_general3A_81, %add3A_83 : vector<64x128xf32>
      %max3A_85 = arith.constant 0.000000e+00 : f32
      %max3A_86 = vector.broadcast %max3A_85 : f32 to vector<64x128xf32>
      %max3A_87 = arith.maximumf %add3A_84, %max3A_86 : vector<64x128xf32>
      %slice3A_88 = vector.extract_strided_slice %get3A_76 {offsets = [1, 0, 0], sizes = [1, 128, 128], strides = [1, 1, 1]} : vector<4x128x128xf32> to vector<1x128x128xf32>
      %squeeze3A_89 = vector.shape_cast %slice3A_88 : vector<1x128x128xf32> to vector<128x128xf32>
      %dot_general3A_90 = arith.constant dense<0.000000e+00> : vector<64x128xf32>
      %dot_general3A_91 = tpu.matmul %max3A_87, %squeeze3A_89, %dot_general3A_90 {dimension_numbers = #tpu.dot_dimension_numbers<[1], [0], [0], [1], [0, 0, 1, 1], [], []>, transpose_lhs_hint = false} : vector<64x128xf32>, vector<128x128xf32>, vector<64x128xf32> -> vector<64x128xf32>
      %slice3A_92 = vector.extract_strided_slice %get3A_79 {offsets = [1, 0], sizes = [1, 128], strides = [1, 1]} : vector<4x128xf32> to vector<1x128xf32>
      %add3A_93 = vector.broadcast %slice3A_92 : vector<1x128xf32> to vector<64x128xf32>
      %add3A_94 = arith.addf %dot_general3A_91, %add3A_93 : vector<64x128xf32>
      %max3A_95 = arith.constant 0.000000e+00 : f32
      %max3A_96 = vector.broadcast %max3A_95 : f32 to vector<64x128xf32>
      %max3A_97 = arith.maximumf %add3A_94, %max3A_96 : vector<64x128xf32>
      %slice3A_98 = vector.extract_strided_slice %get3A_76 {offsets = [2, 0, 0], sizes = [1, 128, 128], strides = [1, 1, 1]} : vector<4x128x128xf32> to vector<1x128x128xf32>
      %squeeze3A_99 = vector.shape_cast %slice3A_98 : vector<1x128x128xf32> to vector<128x128xf32>
      %dot_general3A_100 = arith.constant dense<0.000000e+00> : vector<64x128xf32>
      %dot_general3A_101 = tpu.matmul %max3A_97, %squeeze3A_99, %dot_general3A_100 {dimension_numbers = #tpu.dot_dimension_numbers<[1], [0], [0], [1], [0, 0, 1, 1], [], []>, transpose_lhs_hint = false} : vector<64x128xf32>, vector<128x128xf32>, vector<64x128xf32> -> vector<64x128xf32>
      %slice3A_102 = vector.extract_strided_slice %get3A_79 {offsets = [2, 0], sizes = [1, 128], strides = [1, 1]} : vector<4x128xf32> to vector<1x128xf32>
      %add3A_103 = vector.broadcast %slice3A_102 : vector<1x128xf32> to vector<64x128xf32>
      %add3A_104 = arith.addf %dot_general3A_101, %add3A_103 : vector<64x128xf32>
      %max3A_105 = arith.constant 0.000000e+00 : f32
      %max3A_106 = vector.broadcast %max3A_105 : f32 to vector<64x128xf32>
      %max3A_107 = arith.maximumf %add3A_104, %max3A_106 : vector<64x128xf32>
      %slice3A_108 = vector.extract_strided_slice %get3A_76 {offsets = [3, 0, 0], sizes = [1, 128, 128], strides = [1, 1, 1]} : vector<4x128x128xf32> to vector<1x128x128xf32>
      %squeeze3A_109 = vector.shape_cast %slice3A_108 : vector<1x128x128xf32> to vector<128x128xf32>
      %dot_general3A_110 = arith.constant dense<0.000000e+00> : vector<64x128xf32>
      %dot_general3A_111 = tpu.matmul %max3A_107, %squeeze3A_109, %dot_general3A_110 {dimension_numbers = #tpu.dot_dimension_numbers<[1], [0], [0], [1], [0, 0, 1, 1], [], []>, transpose_lhs_hint = false} : vector<64x128xf32>, vector<128x128xf32>, vector<64x128xf32> -> vector<64x128xf32>
      %slice3A_112 = vector.extract_strided_slice %get3A_79 {offsets = [3, 0], sizes = [1, 128], strides = [1, 1]} : vector<4x128xf32> to vector<1x128xf32>
      %add3A_113 = vector.broadcast %slice3A_112 : vector<1x128xf32> to vector<64x128xf32>
      %add3A_114 = arith.addf %dot_general3A_111, %add3A_113 : vector<64x128xf32>
      %swap3A_115 = arith.constant 0 : index
      %swap3A_116 = arith.constant 0 : index
      %swap3A_117 = vector.load %arg12[%swap3A_115, %swap3A_116] : memref<64x128xf32, #tpu.memory_space<vmem>>, vector<64x128xf32>
      tpu.vector_store %arg12[%swap3A_115, %swap3A_116], %add3A_114 {strides = array<i32>} : memref<64x128xf32, #tpu.memory_space<vmem>>, vector<64x128xf32>,
    } else {
    }
    return
  }
  func.func @transform_0(%arg0: i32) -> i32 {
    %c0_i32 = arith.constant 0 : i32
    %c0_i32_0 = arith.constant 0 : i32
    return %c0_i32 : i32
  }
  func.func @transform_1(%arg0: i32) -> i32 {
    %c0_i32 = arith.constant 0 : i32
    %c0_i32_0 = arith.constant 0 : i32
    return %c0_i32 : i32
  }
  func.func @transform_2(%arg0: i32) -> i32 {
    %c0_i32 = arith.constant 0 : i32
    %c0_i32_0 = arith.constant 0 : i32
    return %c0_i32 : i32
  }
  func.func @transform_3(%arg0: i32) -> (i32, i32) {
    %c0_i32 = arith.constant 0 : i32
    %c0_i32_0 = arith.constant 0 : i32
    return %arg0, %c0_i32 : i32, i32
  }
  func.func @transform_4(%arg0: i32) -> (i32, i32, i32) {
    %c0_i32 = arith.constant 0 : i32
    %c0_i32_0 = arith.constant 0 : i32
    %c0_i32_1 = arith.constant 0 : i32
    return %c0_i32, %arg0, %c0_i32_0 : i32, i32, i32
  }
  func.func @transform_5(%arg0: i32) -> (i32, i32) {
    %c0_i32 = arith.constant 0 : i32
    %c0_i32_0 = arith.constant 0 : i32
    %c0_i32_1 = arith.constant 0 : i32
    return %c0_i32, %c0_i32_0 : i32, i32
  }
  func.func @transform_6(%arg0: i32) -> (i32, i32) {
    %c0_i32 = arith.constant 0 : i32
    %c0_i32_0 = arith.constant 0 : i32
    %c0_i32_1 = arith.constant 0 : i32
    return %c0_i32, %c0_i32_0 : i32, i32
  }
  func.func @transform_7(%arg0: i32) -> (i32, i32) {
    %c0_i32 = arith.constant 0 : i32
    %c0_i32_0 = arith.constant 0 : i32
    %c0_i32_1 = arith.constant 0 : i32
    return %c0_i32, %c0_i32_0 : i32, i32
  }
  func.func @transform_8(%arg0: i32) -> (i32, i32) {
    %c0_i32 = arith.constant 0 : i32
    %c0_i32_0 = arith.constant 0 : i32
    %c0_i32_1 = arith.constant 0 : i32
    return %c0_i32, %c0_i32_0 : i32, i32
  }
  func.func @transform_9(%arg0: i32) -> (i32, i32, i32) {
    %c0_i32 = arith.constant 0 : i32
    %c0_i32_0 = arith.constant 0 : i32
    %c0_i32_1 = arith.constant 0 : i32
    %c0_i32_2 = arith.constant 0 : i32
    return %c0_i32, %c0_i32_0, %c0_i32_1 : i32, i32, i32
  }
  func.func @transform_10(%arg0: i32) -> (i32, i32) {
    %c0_i32 = arith.constant 0 : i32
    %c0_i32_0 = arith.constant 0 : i32
    %c0_i32_1 = arith.constant 0 : i32
    return %c0_i32, %c0_i32_0 : i32, i32
  }
  func.func @transform_11(%arg0: i32) -> (i32, i32) {
    %c0_i32 = arith.constant 0 : i32
    %c0_i32_0 = arith.constant 0 : i32
    %c0_i32_1 = arith.constant 0 : i32
    return %c0_i32, %c0_i32_0 : i32, i32
  }
}

</mosaic_0001>

<sc_bundles>
// kernel: kernel.5.cloned.1.call-start
scs
__scs_entry_jumppad:
0x0: {  	(pc) =	sbr.rel $0x88, $3  }
0x1: {  	(tag) =	ssettag $0x0;
	lr =	simm.s32 $0x1  }
0x2: {  	[smem:$0x3F96] =	sst lr;
	_ =	strace $0xD0000000  }
0x3: {  	_ = 	snop  }
0x4: {  	_ = 	snop  }
0x5: {  	_ = 	snop  }
0x6: {  	_ = 	snop  }
0x7: {  	_ = 	snop  }
__scs_overlays_trampoline_lowered:
0x8: {  	[smem:$0x3FA5] =	sst s0  }
0x9: {  	[smem:$0x3FA6] =	sst s1  }
0xa: {  	[smem:$0x3FA7] =	sst s2  }
0xb: {  	[smem:$0x3FA8] =	sst s3  }
0xc: {  	[smem:$0x3FA9] =	sst s4  }
0xd: {  	[smem:$0x3FAA] =	sst s5  }
0xe: {  	[smem:$0x3FAB] =	sst s6  }
0xf: {  	[smem:$0x3FAC] =	sst s7  }
0x10: {  	[smem:$0x3FAD] =	sst s8  }
0x11: {  	[smem:$0x3FAE] =	sst s9;
	s0 =	simm.s32 @!p0 $0x0  }
0x12: {  	s1 =	sld [smem:$0x3F94];
	s0 =	simm.s32 @p0 $0x1  }
0x13: {  	[smem:$0x3FAF] =	sst s0;
	s0 =	simm.s32 @!p1 $0x0  }
0x14: {  	s2 =	sld [smem:$0x3F93];
	s0 =	simm.s32 @p1 $0x1  }
0x15: {  	[smem:$0x3FB0] =	sst s0;
	s0 =	simm.s32 @!p2 $0x0  }
0x16: {  	s3 =	sld [smem:$0x3FDB];
	s0 =	simm.s32 @p2 $0x1  }
0x17: {  	s4 =	simm.s32 $0x1BF5;
	[smem:$0x3FB2] =	sst s0  }
0x18: {  	s0 =	sld [smem:$0x3F95];
	_ =	swait.ge [sflag:s4], $0x0  }
0x19: {  	s7 =	sld [smem:$0x3F96]  }
0x1a: {  	s8 =	sadd.s32 $0xFFFFE003, lr  }
0x1b: {  	s9 =	sadd.s32 $0xFFFFFEF7, lr;
	s5 =	simm.s32 $0xFFFFFFFF;
	p2 =	slt.u32 s8, $0xFFFFF086  }
0x1c: {  	p1 =	slt.u32 s9, $0xF7A;
	s5 =	simm.s32 @!p2 $0x0  }
0x1d: {  	s5 =	simm.s32 @p1 $0x1;
	p0 =	seq.s32 s7, s2  }
0x1e: {  	s7 =	smul.u32 @!p0 $0xF7A, s2;
	p2 =	seq.s32 @!p0 s5, $0x0  }
0x1f: {  	s9 =	smul.u32 $0xF7A, s1;
	s8 =	simm.s32 @!p0 $0x1BF5;
	p2 =	por !p2, p0  }
0x20: {  	[sflag:s8] =	ssyncset.s32 @!p0 $0xFFFFF086;
	s6 =	sadd.s32 @!p0 s3, s7;
	s7 =	simm.s32 @!p0 $0x108  }
0x21: {  	s3 =	sadd.s32 s3, s9;
	s6 =	sadd.s32 @!p0 $0x88, s6;
	s7 =	simm.s32 @p2 $0x1082  }
0x22: {  	[simem:s7], [sflag:s8] =	dma.local @!p0 [hbm:s6], $0xF7A  }
0x23: {  	s9 =	sor.u32 $0xD0000000, s2;
	s6 =	simm.s32 $0x108;
	_ =	swait.ge @!p0 [sflag:s8], $0x0  }
0x24: {  	s3 =	sadd.s32 $0x88, s3;
	s6 =	simm.s32 @!p1 $0x1082;
	[sflag:s4] =	ssyncset.s32 $0xFFFFF086  }
0x25: {  	[simem:s6], [sflag:s4] =	dma.local [hbm:s3], $0xF7A  }
0x26: {  	[smem:$0x3F96] =	sst s1;
	(tag) =	ssettag s2;
	_ =	strace s9  }
0x27: {  	s1 =	sld [smem:$0x3FA6]  }
0x28: {  	s2 =	sld [smem:$0x3FA7]  }
0x29: {  	s4 =	sld [smem:$0x3FA9]  }
0x2a: {  	p0 =	seq.s32 s5, $0x0;
	s5 =	sld [smem:$0x3FAA]  }
0x2b: {  	s6 =	sld [smem:$0x3FAB]  }
0x2c: {  	s7 =	sld [smem:$0x3FAC]  }
0x2d: {  	s3 =	simm.s32 $0x108;
	s8 =	sld [smem:$0x3FAD]  }
0x2e: {  	s3 =	simm.s32 @!p0 $0x1082;
	s9 =	sld [smem:$0x3FAE]  }
0x2f: {  	lr =	sadd.s32 s0, s3;
	s0 =	sld [smem:$0x3FA5]  }
0x30: {  	s3 =	sld [smem:$0x3FA8]  }
0x31: {  	[smem:$0x3FB1] =	sst s10  }
0x32: {  	s10 =	sld [smem:$0x3FAF];
	_ =	sdelay $0x3  }
0x33: {  	p0 =	seq.s32 s10, $0x1;
	s10 =	sld [smem:$0x3FB1];
	_ =	sdelay $0x3  }
0x34: {  	[smem:$0x3FB1] =	sst s10  }
0x35: {  	s10 =	sld [smem:$0x3FB0];
	_ =	sdelay $0x3  }
0x36: {  	p1 =	seq.s32 s10, $0x1;
	s10 =	sld [smem:$0x3FB1];
	_ =	sdelay $0x3  }
0x37: {  	[smem:$0x3FB1] =	sst s10  }
0x38: {  	s10 =	sld [smem:$0x3FB2]  }
0x39: {  	_ = 	snop;
	(pc) =	sbr.ind lr, $3  }
0x3a: {  	_ = 	snop  }
0x3b: {  	_ = 	snop  }
0x3c: {  	p2 =	seq.s32 s10, $0x1;
	s10 =	sld [smem:$0x3FB1]  }
0x3d: {  	_ =	shalt  }
0x3e: {  	_ =	shalt  }
0x3f: {  	_ =	shalt  }
0x40: {  	_ =	shalt  }
0x41: {  	_ =	shalt  }
0x42: {  	_ =	shalt  }
0x43: {  	_ =	shalt  }
0x44: {  	_ =	shalt  }
0x45: {  	_ =	shalt  }
0x46: {  	_ =	shalt  }
0x47: {  	_ =	shalt  }
0x48: {  	_ =	shalt  }
0x49: {  	_ =	shalt  }
0x4a: {  	_ =	shalt  }
0x4b: {  	_ =	shalt  }
0x4c: {  	_ =	shalt  }
0x4d: {  	_ =	shalt  }
0x4e: {  	_ =	shalt  }
0x4f: {  	_ =	shalt  }
0x50: {  	_ =	shalt  }
0x51: {  	_ =	shalt  }
0x52: {  	_ =	shalt  }
0x53: {  	_ =	shalt  }
0x54: {  	_ =	shalt  }
0x55: {  	_ =	shalt  }
0x56: {  	_ =	shalt  }
0x57: {  	_ =	shalt  }
0x58: {  	_ =	shalt  }
0x59: {  	_ =	shalt  }
0x5a: {  	_ =	shalt  }
0x5b: {  	_ =	shalt  }
0x5c: {  	_ =	shalt  }
0x5d: {  	_ =	shalt  }
0x5e: {  	_ =	shalt  }
0x5f: {  	_ =	shalt  }
0x60: {  	_ =	shalt  }
0x61: {  	_ =	shalt  }
0x62: {  	_ =	shalt  }
0x63: {  	_ =	shalt  }
0x64: {  	_ =	shalt  }
0x65: {  	_ =	shalt  }
0x66: {  	_ =	shalt  }
0x67: {  	_ =	shalt  }
0x68: {  	_ =	shalt  }
0x69: {  	_ =	shalt  }
0x6a: {  	_ =	shalt  }
0x6b: {  	_ =	shalt  }
0x6c: {  	_ =	shalt  }
0x6d: {  	_ =	shalt  }
0x6e: {  	_ =	shalt  }
0x6f: {  	_ =	shalt  }
0x70: {  	_ =	shalt  }
0x71: {  	_ =	shalt  }
0x72: {  	_ =	shalt  }
0x73: {  	_ =	shalt  }
0x74: {  	_ =	shalt  }
0x75: {  	_ =	shalt  }
0x76: {  	_ =	shalt  }
0x77: {  	_ =	shalt  }
0x78: {  	_ =	shalt  }
0x79: {  	_ =	shalt  }
0x7a: {  	_ =	shalt  }
0x7b: {  	_ =	shalt  }
0x7c: {  	_ =	shalt  }
0x7d: {  	_ =	shalt  }
0x7e: {  	_ =	shalt  }
0x7f: {  	_ =	shalt  }
0x80: {  	_ =	shalt  }
0x81: {  	_ =	shalt  }
0x82: {  	_ =	shalt  }
0x83: {  	_ =	shalt  }
0x84: {  	_ =	shalt  }
0x85: {  	_ =	shalt  }
0x86: {  	_ =	shalt  }
0x87: {  	_ =	shalt  }
.Lfunc_end0:
.L_simem_size_0:
called_computation_lowered:
.L_overlay_start_0:
0x88: {  	s2 =	sld [smem:$0x3FD9]  }
0x89: {  	s3 =	sld [smem:$0x3FFE];
	_ =	sdelay $0x1  }
0x8a: {  	s1 =	srdreg.scid  }
0x8b: {  	s0 =	sand.u32 $0x1, s1  }
0x8c: {  	s16 =	sshll.u32 s0, $0xA;
	s2 =	sadd.s32 s3, s2  }
0x8d: {  	s2 =	sadd.s32 s2, s16  }
0x8e: {  	[smem:$0x3FBD] =	sst s2  }
0x8f: {  	_ = 	snop  }
0x90: {  	(tm) =	ssettm $0x1  }
0x91: {  	s17 =	sld [smem:$0x3FFB];
	_ =	sdelay $0x3  }
0x92: {  	_ =	strace s17  }
0x93: {  	s2 =	sld [smem:$0x3FFC];
	_ =	sdelay $0x3  }
0x94: {  	_ =	strace s2  }
0x95: {  	s2 =	sld [smem:$0x3FFD];
	_ =	sdelay $0x3  }
0x96: {  	_ =	strace s2  }
0x97: {  	_ =	strace $0x8FFFFFFF  }
0x98: {  	s18 =	sld [smem:$0x3FDB];
	_ =	sdelay $0x1  }
0x99: {  	s19 =	simm.s32 $_scs_section_size  }
0x9a: {  	s4 =	simm.s32 $_size__tile_overlayer_lowered;
	s5 =	simm.s32 $_tile_overlayer_lowered  }
0x9b: {  	s22 =	simm.s32 $0x1BFF;
	s21 =	sshll.u32 s5, $0x1;
	s2 =	sadd.s32 s19, s18  }
0x9c: {  	s6 =	simm.s32 $0x0;
	s20 =	sshll.u32 s4, $0x1;
	s4 =	sadd.s32 s21, s2  }
0x9d: {  	[timem:s6], [sflag:s22] =	dma.local [hbm:s4], s20  }
0x9e: {  	_ =	swait.ge [sflag:s22], s20  }
0x9f: {  	s3 =	ssub.s32 $0x0, s20;
	[sflag:s22] =	ssyncset.done $0x0  }
0xa0: {  	[sflag:s22] =	ssyncadd.s32 s3;
	_ =	sdelay $0x1  }
0xa1: {  	s23 =	simm.s32 $0x1B8B  }
0xa2: {  	_ =	swait.ge [sflag:s23], $0x1  }
0xa3: {  	[sflag:s23] =	ssyncset.done $0x0  }
0xa4: {  	s25 =	simm.s32 $0x1B8E;
	s24 =	sld [smem:$0x3FFE];
	[sflag:s23] =	ssyncadd.s32 $0xFFFFFFFF  }
0xa5: {  	s26 =	simm.s32 $execute0_lowered;
	[smem:$0x3FD2] =	sst s25  }
0xa6: {  	s4 =	sshll.u32 s26, $0x1;
	_ =	strace $0x80000046;
	[dreg:$0x1] =	wrdreg $0xFFFFFFFF  }
0xa7: {  	s28 =	simm.s32 $_size_execute0_lowered;
	s2 =	sadd.s32 s2, s4;
	[dreg:$0x0] =	wrdreg $0x0  }
0xa8: {  	s4 =	sshll.u32 s28, $0x1;
	[dreg:$0x2] =	wrdreg s2  }
0xa9: {  	[dreg:$0x3] =	wrdreg s4  }
0xaa: {  	[dreg:$0x4] =	wrdreg $0xC0  }
0xab: {  	_ =	task [dreg:s6], $0x5FFFF  }
0xac: {  	[dreg:$0x1] =	wrdreg $0xFFFFFFFF  }
0xad: {  	[dreg:$0x0] =	wrdreg $0x60  }
0xae: {  	[dreg:$0x2] =	wrdreg s24  }
0xaf: {  	[dreg:$0x3] =	wrdreg $0xC0000  }
0xb0: {  	[dreg:$0x4] =	wrdreg $0x9  }
0xb1: {  	_ =	task.clear_ibuf [dreg:s6], $0x5FFFF;
	_ =	strace $0x90000046  }
0xb2: {  	s29 =	simm.s32 $0x9;
	_ =	strace $0x80000048  }
0xb3: {  	_ =	swait.ge [sflag:s29], $0x1  }
0xb4: {  	[sflag:s29] =	ssyncadd.s32 $0xFFFFFFFF  }
0xb5: {  	_ =	strace $0x90000048  }
0xb6: {  	_ =	sfence  }
0xb7: {  	s30 =	sld [smem:$0x0];
	_ =	sdelay $0x2  }
0xb8: {  	s31 =	sshll.u32 s1, $0xD;
	s1 =	sshrl.u32 s1, $0x2  }
0xb9: {  	s3 =	sand.u32 $0x4000, s31;
	s1 =	sadd.s32 s1, s30  }
0xba: {  	s0 =	sor.u32 s3, s0;
	s1 =	sshll.u32 s1, $0x11  }
0xbb: {  	s0 =	sor.u32 s1, s0  }
0xbc: {  	s0 =	sadd.s32 $0x8F2B, s0  }
0xbd: {  	[sflag:s0] =	ssyncadd.remote.s32 $0x1  }
0xbe: {  	_ =	sfence.sel $0xFFFF  }
0xbf: {  	[dreg:$0x0] =	wrdreg $0xFFFFFFFF;
	(pc) =	sbr.abs _section_cstart, $3  }
0xc0: {  	[dreg:$0x1] =	wrdreg $0xFFFFFFFF  }
0xc1: {  	_ =	task.clear_ibuf [dreg:s6], $0x2FFFF;
	_ =	strace $0x9FFFFFFF  }
0xc2: {  	(tm) =	ssettm $0x7FFFFFFF  }
0xc3: {  	_ =	shalt  }
tec
execute0_lowered:
.L_overlay_start_1:
0x0: {  	(tag) =	ssettag $0x1  }
0x1: {  	s1 =	rddreg [dreg:$0x0]  }
0x2: {  	s2 =	rddreg [dreg:$0x1];
	s3 =	simm.s32 $0x0  }
0x3: {  	s16 =	simm.s32 $0x80;
	[smem:$0x7FF] =	sst s3  }
0x4: {  	s17 =	simm.s32 $0x100;
	_ =	strace $0x80000047;
	[dreg:$0x5] =	wrdreg s16  }
0x5: {  	s18 =	simm.s32 $0x180;
	[dreg:$0x6] =	wrdreg s17  }
0x6: {  	s19 =	simm.s32 $0x200;
	[dreg:$0x7] =	wrdreg s18  }
0x7: {  	s20 =	simm.s32 $0x1080;
	[dreg:$0x8] =	wrdreg s19  }
0x8: {  	s21 =	simm.s32 $0x280;
	[dreg:$0x9] =	wrdreg s20  }
0x9: {  	s22 =	simm.s32 $0x1100;
	[dreg:$0xa] =	wrdreg s21  }
0xa: {  	s23 =	simm.s32 $0x300;
	[dreg:$0xb] =	wrdreg s22  }
0xb: {  	s24 =	simm.s32 $0x1180;
	[dreg:$0xc] =	wrdreg s23  }
0xc: {  	s25 =	simm.s32 $0x380;
	[dreg:$0xd] =	wrdreg s24  }
0xd: {  	s9 =	simm.s32 $0x1200;
	[dreg:$0xe] =	wrdreg s25  }
0xe: {  	s7 =	simm.s32 $0x400;
	[dreg:$0xf] =	wrdreg s9  }
0xf: {  	s10 =	simm.s32 $0x1280;
	[dreg:$0x10] =	wrdreg s7  }
0x10: {  	s0 =	srdreg.scid;
	s11 =	simm.s32 $0x480;
	[dreg:$0x11] =	wrdreg s10  }
0x11: {  	s8 =	stileid.u32;
	s12 =	simm.s32 $0x1300;
	[dreg:$0x12] =	wrdreg s11  }
0x12: {  	s13 =	simm.s32 $0x500;
	s14 =	simm.s32 $0x1380;
	[dreg:$0x13] =	wrdreg s12  }
0x13: {  	s28 =	simm.s32 $0x6;
	s29 =	simm.s32 $0x7;
	[dreg:$0x14] =	wrdreg s13  }
0x14: {  	s30 =	simm.s32 $0x8;
	[dreg:$0x15] =	wrdreg s14;
	s16 =	simm.s32 $0x580  }
0x15: {  	s31 =	simm.s32 $0xB00;
	s18 =	simm.s32 $0x1400;
	[dreg:$0x16] =	wrdreg s16  }
0x16: {  	s0 =	sand.u32 $0x1, s0;
	s19 =	simm.s32 $0x600;
	[dreg:$0x17] =	wrdreg s18  }
0x17: {  	s5 =	smul.u32 $0xA00, s8;
	s21 =	simm.s32 $0x1480;
	[dreg:$0x18] =	wrdreg s19  }
0x18: {  	s6 =	smul.u32 $0x14000, s8;
	s22 =	simm.s32 $0x680;
	[dreg:$0x19] =	wrdreg s21  }
0x19: {  	s4 =	smul.u32 $0xA000, s0;
	s24 =	simm.s32 $0x1500;
	[dreg:$0x1a] =	wrdreg s22  }
0x1a: {  	s26 =	smul.u32 $0x140000, s0;
	s9 =	simm.s32 $0x1580;
	[dreg:$0x1b] =	wrdreg s24  }
0x1b: {  	s0 =	ssub.s32 $0x2, s0;
	s11 =	simm.s32 $0x780;
	[dreg:$0x1d] =	wrdreg s9  }
0x1c: {  	s17 =	smul.u32 $0x50000, s8;
	s13 =	simm.s32 $0x1600;
	[dreg:$0x1e] =	wrdreg s11  }
0x1d: {  	s7 =	simm.s32 $0xC00;
	[dreg:$0x1f] =	wrdreg s13;
	s16 =	simm.s32 $0x1680  }
0x1e: {  	s15 =	sshrl.u32 s0, $0x1;
	s18 =	simm.s32 $0x1700;
	[smem:$0x7F2] =	sst s16  }
0x1f: {  	s19 =	simm.s32 $0x900;
	s21 =	simm.s32 $0x980;
	[smem:$0x7F5] =	sst s18  }
0x20: {  	s22 =	simm.s32 $0x1800;
	s24 =	simm.s32 $0x1880;
	[smem:$0x7F6] =	sst s19  }
0x21: {  	s9 =	simm.s32 $0x1B00;
	s11 =	simm.s32 $0x1C00;
	[smem:$0x7F8] =	sst s21  }
0x22: {  	s4 =	sadd.s32 s4, s1;
	s0 =	ssub.s32 s0, s15;
	[smem:$0x7F9] =	sst s22  }
0x23: {  	s20 =	sshrl.u32 s17, $0x2;
	s15 =	simm.s32 $0x800;
	[smem:$0x7FB] =	sst s24  }
0x24: {  	s17 =	simm.s32 $0x880;
	s16 =	simm.s32 $0x1;
	[smem:$0x7F0] =	sst s15  }
0x25: {  	s4 =	sadd.s32 s5, s4;
	s0 =	smax.u32 s0, $0x1;
	[smem:$0x7F4] =	sst s17  }
0x26: {  	s18 =	simm.s32 $0x3;
	s5 =	sadd.s32 $0x14C00, s4;
	[smem:$0x7F3] =	sst s0  }
0x27: {  	s19 =	simm.s32 $0x4;
	s4 =	sadd.s32 $0xC00, s4;
	[dreg:$0x3] =	wrdreg s5  }
0x28: {  	[dreg:$0x4] =	wrdreg s4;
	s5 =	sadd.s32 s6, s26;
	s26 =	simm.s32 $0x700  }
0x29: {  	s21 =	simm.s32 $0x1000;
	s6 =	sadd.s32 s20, s2;
	[dreg:$0x1c] =	wrdreg s26  }
0x2a: {  	s22 =	simm.s32 $0x50;
	s20 =	simm.s32 $0x1780;
	[smem:$0x7EE] =	sst s6  }
0x2b: {  	s24 =	simm.s32 $0x7000;
	s23 =	sadd.s32 $0x2800, s6;
	[smem:$0x7F7] =	sst s20  }
0x2c: {  	s15 =	simm.s32 $0x2000;
	s25 =	sadd.s32 $0x5000, s6;
	[smem:$0x7E8] =	sst s23  }
0x2d: {  	s17 =	simm.s32 $0x2;
	s8 =	sadd.s32 $0x7800, s6;
	[smem:$0x7E9] =	sst s25  }
0x2e: {  	s0 =	simm.s32 $0xB80;
	s10 =	sadd.s32 $0xA000, s6;
	[smem:$0x7EA] =	sst s8  }
0x2f: {  	s4 =	sadd.s32 $0x28C00, s1;
	s12 =	sadd.s32 $0xC800, s6;
	[smem:$0x7EB] =	sst s10  }
0x30: {  	s5 =	sshrl.u32 s5, $0x3;
	s14 =	sadd.s32 $0xF000, s6;
	[smem:$0x7EC] =	sst s12  }
0x31: {  	s6 =	sadd.s32 $0x11800, s6;
	s20 =	simm.s32 $0x9;
	[smem:$0x7ED] =	sst s14  }
0x32: {  	s26 =	simm.s32 $0x1900;
	s1 =	sadd.s32 s5, s1;
	[smem:$0x7EF] =	sst s6  }
0x33: {  	s23 =	simm.s32 $0xA00;
	s25 =	simm.s32 $0xA80;
	[smem:$0x7FD] =	sst s26  }
0x34: {  	s26 =	simm.s32 $0x5;
	s6 =	simm.s32 $0x1A00;
	s8 =	simm.s32 $0x1A80  }
0x35: {  	s10 =	simm.s32 $0x1B80;
	s12 =	simm.s32 $0x0;
	[smem:$0x7FA] =	sst s23  }
0x36: {  	s1 =	sadd.s32 $0x4FE00, s1;
	[smem:$0x7FC] =	sst s25;
	s23 =	simm.s32 $0x4800  }
0x37: {  	v0 =	vimm.f32 $0.0e+00;
	s25 =	simm.s32 $0x9800;
	[smem:$0x7F1] =	sst s1;
	s1 =	simm.s32 $0x1980  }
.LBB2_1:
0x38: {  	s13 =	simm.s32 $0x70;
	s14 =	simm.s32 $0x3C0  }
.LBB2_2:
0x39: {  	p0 =	sne.s32 s14, $0x9FC0;
	[tilespmem:s13+$0x2000] =	vst v0  }
0x3a: {  	[tilespmem:s13+$0x1F90] =	vst v0  }
0x3b: {  	[tilespmem:s13+$0x1FA0] =	vst v0  }
.Ltmp0:
0x3c: {  	[tilespmem:s13+$0x1FB0] =	vst v0;
	(pc) =	sbr.rel @p0 .LBB2_2-.Ltmp0, $4  }
0x3d: {  	[tilespmem:s13+$0x1FC0] =	vst v0  }
0x3e: {  	[tilespmem:s13+$0x1FD0] =	vst v0  }
0x3f: {  	[tilespmem:s13+$0x1FE0] =	vst v0  }
0x40: {  	[tilespmem:s13+$0x1FF0] =	vst v0;
	s13 =	sshra.s32 s14, $0x2;
	s14 =	sadd.s32 $0x200, s14  }
0x41: {  	[tilespmem:s13+$0x2000] =	vst v0  }
0x42: {  	[tilespmem:s13+$0x1F90] =	vst v0  }
0x43: {  	[tilespmem:s13+$0x1FA0] =	vst v0  }
0x44: {  	[tilespmem:s13+$0x1FB0] =	vst v0  }
0x45: {  	[tilespmem:s13+$0x1FC0] =	vst v0  }
0x46: {  	[tilespmem:s13+$0x1FD0] =	vst v0;
	s5 =	sld [smem:$0x7EE]  }
0x47: {  	[smem:$0x7E7] =	sst s12;
	[tilespmem:s13+$0x1FE0] =	vst v0  }
0x48: {  	[tilespmem:s13+$0x1FF0] =	vst v0;
	s14 =	sld [smem:$0x7E8]  }
0x49: {  	[spmem:s5] =	stream.linear.scatter [tilespmem:s15], [sflag:$0x1], $0x2800, $0x38;
	v63 =	vld [tilespmem:$0x0]  }
0x4a: {  	s12 =	sld [smem:$0x7E9]  }
0x4b: {  	[spmem:s14] =	stream.linear.scatter [tilespmem:s15], [sflag:$0x2], $0x2800, $0x38;
	v63 =	vld [tilespmem:$0x0]  }
0x4c: {  	s13 =	sld [smem:$0x7EA]  }
0x4d: {  	[spmem:s12] =	stream.linear.scatter [tilespmem:s15], [sflag:$0x3], $0x2800, $0x38;
	v63 =	vld [tilespmem:$0x0]  }
0x4e: {  	s14 =	sld [smem:$0x7EB]  }
0x4f: {  	[spmem:s13] =	stream.linear.scatter [tilespmem:s15], [sflag:$0x4], $0x2800, $0x38;
	v63 =	vld [tilespmem:$0x0]  }
0x50: {  	s12 =	sld [smem:$0x7EC]  }
0x51: {  	[spmem:s14] =	stream.linear.scatter [tilespmem:s15], [sflag:$0x1], $0x2800, $0x38;
	v63 =	vld [tilespmem:$0x0]  }
0x52: {  	s13 =	sld [smem:$0x7ED]  }
0x53: {  	[spmem:s12] =	stream.linear.scatter [tilespmem:s15], [sflag:$0x2], $0x2800, $0x38;
	v63 =	vld [tilespmem:$0x0]  }
0x54: {  	s14 =	sld [smem:$0x7EF]  }
0x55: {  	[spmem:s13] =	stream.linear.scatter [tilespmem:s15], [sflag:$0x3], $0x2800, $0x38;
	v63 =	vld [tilespmem:$0x0]  }
0x56: {  	_ = 	snop  }
0x57: {  	[spmem:s14] =	stream.linear.scatter [tilespmem:s15], [sflag:$0x4], $0x2800, $0x38;
	v63 =	vld [tilespmem:$0x0]  }
0x58: {  	_ =	swait.ge [sflag:s16], $0x2800  }
0x59: {  	[sflag:s16] =	ssyncset.done $0x0  }
0x5a: {  	[sflag:s16] =	ssyncadd.s32 $0xFFFFD800  }
0x5b: {  	_ =	swait.ge [sflag:s17], $0x2800  }
0x5c: {  	[sflag:s17] =	ssyncset.done $0x0  }
0x5d: {  	[sflag:s17] =	ssyncadd.s32 $0xFFFFD800  }
0x5e: {  	_ =	swait.ge [sflag:s18], $0x2800  }
0x5f: {  	[sflag:s18] =	ssyncset.done $0x0  }
0x60: {  	[sflag:s18] =	ssyncadd.s32 $0xFFFFD800  }
0x61: {  	_ =	swait.ge [sflag:s19], $0x2800  }
0x62: {  	[sflag:s19] =	ssyncset.done $0x0  }
0x63: {  	[sflag:s19] =	ssyncadd.s32 $0xFFFFD800  }
0x64: {  	_ =	swait.ge [sflag:s16], $0x2800  }
0x65: {  	[sflag:s16] =	ssyncset.done $0x0  }
0x66: {  	[sflag:s16] =	ssyncadd.s32 $0xFFFFD800  }
0x67: {  	_ =	swait.ge [sflag:s17], $0x2800  }
0x68: {  	[sflag:s17] =	ssyncset.done $0x0  }
0x69: {  	[sflag:s17] =	ssyncadd.s32 $0xFFFFD800  }
0x6a: {  	_ =	swait.ge [sflag:s18], $0x2800  }
0x6b: {  	[sflag:s18] =	ssyncset.done $0x0  }
0x6c: {  	[sflag:s18] =	ssyncadd.s32 $0xFFFFD800  }
0x6d: {  	_ =	swait.ge [sflag:s19], $0x2800  }
0x6e: {  	[sflag:s19] =	ssyncset.done $0x0  }
0x6f: {  	[sflag:s19] =	ssyncadd.s32 $0xFFFFD800  }
0x70: {  	[bflag:$0x0] =	sbarrier.arrive $0xFFFF  }
0x71: {  	s12 =	rddreg [dreg:$0x4]  }
0x72: {  	s5 =	sadd.s32 $0x0, s12  }
0x73: {  	[tilespmem:s3], [sflag:$0x9] =	stream.linear.gather [hbm4b:s5+s3], $0xC80, $0x38;
	v63 =	vld [tilespmem:$0x0]  }
0x74: {  	_ =	swait.ge [sflag:s20], $0xC80  }
0x75: {  	s13 =	rddreg [dreg:$0x3];
	[sflag:s20] =	ssyncset.done $0x0  }
0x76: {  	[sflag:s20] =	ssyncadd.s32 $0xFFFFF380;
	s5 =	sadd.s32 $0x0, s13  }
0x77: {  	[tilespmem:s21], [sflag:$0x9] =	stream.linear.gather [hbm4b:s5+s3], $0xC80, $0x38;
	v63 =	vld [tilespmem:$0x0]  }
0x78: {  	_ =	swait.ge [sflag:s20], $0xC80  }
0x79: {  	[sflag:s20] =	ssyncset.done $0x0  }
0x7a: {  	[sflag:s20] =	ssyncadd.s32 $0xFFFFF380  }
0x7b: {  	[tilespmem:s15], [sflag:$0x1] =	stream.indirect.gather [hbm4b:s4+s22], $0x80, s3, s22, $0xb8;
	v63 =	vld [tilespmem:$0x0]  }
0x7c: {  	s14 =	rddreg [dreg:$0x5]  }
0x7d: {  	[tilespmem:s23], [sflag:$0x2] =	stream.indirect.gather [hbm4b:s4+s22], $0x80, s14, s22, $0xb8;
	v63 =	vld [tilespmem:$0x0]  }
0x7e: {  	s12 =	rddreg [dreg:$0x6]  }
0x7f: {  	[tilespmem:s24], [sflag:$0x3] =	stream.indirect.gather [hbm4b:s4+s22], $0x80, s12, s22, $0xb8;
	v63 =	vld [tilespmem:$0x0]  }
0x80: {  	s14 =	rddreg [dreg:$0x7]  }
0x81: {  	[tilespmem:s25], [sflag:$0x4] =	stream.indirect.gather [hbm4b:s4+s22], $0x80, s14, s22, $0xb8;
	v63 =	vld [tilespmem:$0x0]  }
0x82: {  	_ =	swait.ge [sflag:s16], $0x2800  }
0x83: {  	[sflag:s16] =	ssyncset.done $0x0  }
0x84: {  	[sflag:s16] =	ssyncadd.s32 $0xFFFFD800  }
0x85: {  	[spmem:s2] =	stream.indirect.scatter.add.f32 [tilespmem:s15], [sflag:$0x5], $0x80, s21, s22, $0xb8;
	v63 =	vld [tilespmem:$0x0]  }
0x86: {  	_ =	swait.ge [sflag:s26], $0x2800  }
0x87: {  	[sflag:s26] =	ssyncset.done $0x0  }
0x88: {  	s12 =	rddreg [dreg:$0x8];
	[sflag:s26] =	ssyncadd.s32 $0xFFFFD800  }
0x89: {  	[tilespmem:s15], [sflag:$0x1] =	stream.indirect.gather [hbm4b:s4+s22], $0x80, s12, s22, $0xb8;
	v63 =	vld [tilespmem:$0x0]  }
0x8a: {  	_ =	swait.ge [sflag:s17], $0x2800  }
0x8b: {  	[sflag:s17] =	ssyncset.done $0x0  }
0x8c: {  	s13 =	rddreg [dreg:$0x9];
	[sflag:s17] =	ssyncadd.s32 $0xFFFFD800  }
0x8d: {  	[spmem:s2] =	stream.indirect.scatter.add.f32 [tilespmem:s23], [sflag:$0x6], $0x80, s13, s22, $0xb8;
	v63 =	vld [tilespmem:$0x0]  }
0x8e: {  	_ =	swait.ge [sflag:s28], $0x2800  }
0x8f: {  	[sflag:s28] =	ssyncset.done $0x0  }
0x90: {  	s14 =	rddreg [dreg:$0xa];
	[sflag:s28] =	ssyncadd.s32 $0xFFFFD800  }
0x91: {  	[tilespmem:s23], [sflag:$0x2] =	stream.indirect.gather [hbm4b:s4+s22], $0x80, s14, s22, $0xb8;
	v63 =	vld [tilespmem:$0x0]  }
0x92: {  	_ =	swait.ge [sflag:s18], $0x2800  }
0x93: {  	[sflag:s18] =	ssyncset.done $0x0  }
0x94: {  	s12 =	rddreg [dreg:$0xb];
	[sflag:s18] =	ssyncadd.s32 $0xFFFFD800  }
0x95: {  	[spmem:s2] =	stream.indirect.scatter.add.f32 [tilespmem:s24], [sflag:$0x7], $0x80, s12, s22, $0xb8;
	v63 =	vld [tilespmem:$0x0]  }
0x96: {  	_ =	swait.ge [sflag:s29], $0x2800  }
0x97: {  	[sflag:s29] =	ssyncset.done $0x0  }
0x98: {  	s13 =	rddreg [dreg:$0xc];
	[sflag:s29] =	ssyncadd.s32 $0xFFFFD800  }
0x99: {  	[tilespmem:s24], [sflag:$0x3] =	stream.indirect.gather [hbm4b:s4+s22], $0x80, s13, s22, $0xb8;
	v63 =	vld [tilespmem:$0x0]  }
0x9a: {  	_ =	swait.ge [sflag:s19], $0x2800  }
0x9b: {  	[sflag:s19] =	ssyncset.done $0x0  }
0x9c: {  	s14 =	rddreg [dreg:$0xd];
	[sflag:s19] =	ssyncadd.s32 $0xFFFFD800  }
0x9d: {  	[spmem:s2] =	stream.indirect.scatter.add.f32 [tilespmem:s25], [sflag:$0x8], $0x80, s14, s22, $0xb8;
	v63 =	vld [tilespmem:$0x0]  }
0x9e: {  	_ =	swait.ge [sflag:s30], $0x2800  }
0x9f: {  	[sflag:s30] =	ssyncset.done $0x0  }
0xa0: {  	s12 =	rddreg [dreg:$0xe];
	[sflag:s30] =	ssyncadd.s32 $0xFFFFD800  }
0xa1: {  	[tilespmem:s25], [sflag:$0x4] =	stream.indirect.gather [hbm4b:s4+s22], $0x80, s12, s22, $0xb8;
	v63 =	vld [tilespmem:$0x0]  }
0xa2: {  	_ =	swait.ge [sflag:s16], $0x2800  }
0xa3: {  	[sflag:s16] =	ssyncset.done $0x0  }
0xa4: {  	s13 =	rddreg [dreg:$0xf];
	[sflag:s16] =	ssyncadd.s32 $0xFFFFD800  }
0xa5: {  	[spmem:s2] =	stream.indirect.scatter.add.f32 [tilespmem:s15], [sflag:$0x5], $0x80, s13, s22, $0xb8;
	v63 =	vld [tilespmem:$0x0]  }
0xa6: {  	_ =	swait.ge [sflag:s26], $0x2800  }
0xa7: {  	[sflag:s26] =	ssyncset.done $0x0  }
0xa8: {  	s14 =	rddreg [dreg:$0x10];
	[sflag:s26] =	ssyncadd.s32 $0xFFFFD800  }
0xa9: {  	[tilespmem:s15], [sflag:$0x1] =	stream.indirect.gather [hbm4b:s4+s22], $0x80, s14, s22, $0xb8;
	v63 =	vld [tilespmem:$0x0]  }
0xaa: {  	_ =	swait.ge [sflag:s17], $0x2800  }
0xab: {  	[sflag:s17] =	ssyncset.done $0x0  }
0xac: {  	s12 =	rddreg [dreg:$0x11];
	[sflag:s17] =	ssyncadd.s32 $0xFFFFD800  }
0xad: {  	[spmem:s2] =	stream.indirect.scatter.add.f32 [tilespmem:s23], [sflag:$0x6], $0x80, s12, s22, $0xb8;
	v63 =	vld [tilespmem:$0x0]  }
0xae: {  	_ =	swait.ge [sflag:s28], $0x2800  }
0xaf: {  	[sflag:s28] =	ssyncset.done $0x0  }
0xb0: {  	s13 =	rddreg [dreg:$0x12];
	[sflag:s28] =	ssyncadd.s32 $0xFFFFD800  }
0xb1: {  	[tilespmem:s23], [sflag:$0x2] =	stream.indirect.gather [hbm4b:s4+s22], $0x80, s13, s22, $0xb8;
	v63 =	vld [tilespmem:$0x0]  }
0xb2: {  	_ =	swait.ge [sflag:s18], $0x2800  }
0xb3: {  	[sflag:s18] =	ssyncset.done $0x0  }
0xb4: {  	s14 =	rddreg [dreg:$0x13];
	[sflag:s18] =	ssyncadd.s32 $0xFFFFD800  }
0xb5: {  	[spmem:s2] =	stream.indirect.scatter.add.f32 [tilespmem:s24], [sflag:$0x7], $0x80, s14, s22, $0xb8;
	v63 =	vld [tilespmem:$0x0]  }
0xb6: {  	_ =	swait.ge [sflag:s29], $0x2800  }
0xb7: {  	[sflag:s29] =	ssyncset.done $0x0  }
0xb8: {  	s12 =	rddreg [dreg:$0x14];
	[sflag:s29] =	ssyncadd.s32 $0xFFFFD800  }
0xb9: {  	[tilespmem:s24], [sflag:$0x3] =	stream.indirect.gather [hbm4b:s4+s22], $0x80, s12, s22, $0xb8;
	v63 =	vld [tilespmem:$0x0]  }
0xba: {  	_ =	swait.ge [sflag:s19], $0x2800  }
0xbb: {  	[sflag:s19] =	ssyncset.done $0x0  }
0xbc: {  	s13 =	rddreg [dreg:$0x15];
	[sflag:s19] =	ssyncadd.s32 $0xFFFFD800  }
0xbd: {  	[spmem:s2] =	stream.indirect.scatter.add.f32 [tilespmem:s25], [sflag:$0x8], $0x80, s13, s22, $0xb8;
	v63 =	vld [tilespmem:$0x0]  }
0xbe: {  	_ =	swait.ge [sflag:s30], $0x2800  }
0xbf: {  	[sflag:s30] =	ssyncset.done $0x0  }
0xc0: {  	s14 =	rddreg [dreg:$0x16];
	[sflag:s30] =	ssyncadd.s32 $0xFFFFD800  }
0xc1: {  	[tilespmem:s25], [sflag:$0x4] =	stream.indirect.gather [hbm4b:s4+s22], $0x80, s14, s22, $0xb8;
	v63 =	vld [tilespmem:$0x0]  }
0xc2: {  	_ =	swait.ge [sflag:s16], $0x2800  }
0xc3: {  	[sflag:s16] =	ssyncset.done $0x0  }
0xc4: {  	s12 =	rddreg [dreg:$0x17];
	[sflag:s16] =	ssyncadd.s32 $0xFFFFD800  }
0xc5: {  	[spmem:s2] =	stream.indirect.scatter.add.f32 [tilespmem:s15], [sflag:$0x5], $0x80, s12, s22, $0xb8;
	v63 =	vld [tilespmem:$0x0]  }
0xc6: {  	_ =	swait.ge [sflag:s26], $0x2800  }
0xc7: {  	[sflag:s26] =	ssyncset.done $0x0  }
0xc8: {  	s13 =	rddreg [dreg:$0x18];
	[sflag:s26] =	ssyncadd.s32 $0xFFFFD800  }
0xc9: {  	[tilespmem:s15], [sflag:$0x1] =	stream.indirect.gather [hbm4b:s4+s22], $0x80, s13, s22, $0xb8;
	v63 =	vld [tilespmem:$0x0]  }
0xca: {  	_ =	swait.ge [sflag:s17], $0x2800  }
0xcb: {  	[sflag:s17] =	ssyncset.done $0x0  }
0xcc: {  	s14 =	rddreg [dreg:$0x19];
	[sflag:s17] =	ssyncadd.s32 $0xFFFFD800  }
0xcd: {  	[spmem:s2] =	stream.indirect.scatter.add.f32 [tilespmem:s23], [sflag:$0x6], $0x80, s14, s22, $0xb8;
	v63 =	vld [tilespmem:$0x0]  }
0xce: {  	_ =	swait.ge [sflag:s28], $0x2800  }
0xcf: {  	[sflag:s28] =	ssyncset.done $0x0  }
0xd0: {  	s12 =	rddreg [dreg:$0x1a];
	[sflag:s28] =	ssyncadd.s32 $0xFFFFD800  }
0xd1: {  	[tilespmem:s23], [sflag:$0x2] =	stream.indirect.gather [hbm4b:s4+s22], $0x80, s12, s22, $0xb8;
	v63 =	vld [tilespmem:$0x0]  }
0xd2: {  	_ =	swait.ge [sflag:s18], $0x2800  }
0xd3: {  	[sflag:s18] =	ssyncset.done $0x0  }
0xd4: {  	s13 =	rddreg [dreg:$0x1b];
	[sflag:s18] =	ssyncadd.s32 $0xFFFFD800  }
0xd5: {  	[spmem:s2] =	stream.indirect.scatter.add.f32 [tilespmem:s24], [sflag:$0x7], $0x80, s13, s22, $0xb8;
	v63 =	vld [tilespmem:$0x0]  }
0xd6: {  	_ =	swait.ge [sflag:s29], $0x2800  }
0xd7: {  	[sflag:s29] =	ssyncset.done $0x0  }
0xd8: {  	s14 =	rddreg [dreg:$0x1c];
	[sflag:s29] =	ssyncadd.s32 $0xFFFFD800  }
0xd9: {  	[tilespmem:s24], [sflag:$0x3] =	stream.indirect.gather [hbm4b:s4+s22], $0x80, s14, s22, $0xb8;
	v63 =	vld [tilespmem:$0x0]  }
0xda: {  	_ =	swait.ge [sflag:s19], $0x2800  }
0xdb: {  	[sflag:s19] =	ssyncset.done $0x0  }
0xdc: {  	s12 =	rddreg [dreg:$0x1d];
	[sflag:s19] =	ssyncadd.s32 $0xFFFFD800  }
0xdd: {  	[spmem:s2] =	stream.indirect.scatter.add.f32 [tilespmem:s25], [sflag:$0x8], $0x80, s12, s22, $0xb8;
	v63 =	vld [tilespmem:$0x0]  }
0xde: {  	_ =	swait.ge [sflag:s30], $0x2800  }
0xdf: {  	[sflag:s30] =	ssyncset.done $0x0  }
0xe0: {  	s13 =	rddreg [dreg:$0x1e];
	[sflag:s30] =	ssyncadd.s32 $0xFFFFD800  }
0xe1: {  	[tilespmem:s25], [sflag:$0x4] =	stream.indirect.gather [hbm4b:s4+s22], $0x80, s13, s22, $0xb8;
	v63 =	vld [tilespmem:$0x0]  }
0xe2: {  	_ =	swait.ge [sflag:s16], $0x2800  }
0xe3: {  	[sflag:s16] =	ssyncset.done $0x0  }
0xe4: {  	s14 =	rddreg [dreg:$0x1f];
	[sflag:s16] =	ssyncadd.s32 $0xFFFFD800  }
0xe5: {  	[spmem:s2] =	stream.indirect.scatter.add.f32 [tilespmem:s15], [sflag:$0x5], $0x80, s14, s22, $0xb8;
	v63 =	vld [tilespmem:$0x0]  }
0xe6: {  	_ =	swait.ge [sflag:s26], $0x2800  }
0xe7: {  	s12 =	sld [smem:$0x7F0]  }
0xe8: {  	[sflag:s26] =	ssyncset.done $0x0  }
0xe9: {  	[sflag:s26] =	ssyncadd.s32 $0xFFFFD800  }
0xea: {  	[tilespmem:s15], [sflag:$0x1] =	stream.indirect.gather [hbm4b:s4+s22], $0x80, s12, s22, $0xb8;
	v63 =	vld [tilespmem:$0x0]  }
0xeb: {  	_ =	swait.ge [sflag:s17], $0x2800  }
0xec: {  	s13 =	sld [smem:$0x7F2]  }
0xed: {  	[sflag:s17] =	ssyncset.done $0x0  }
0xee: {  	[sflag:s17] =	ssyncadd.s32 $0xFFFFD800  }
0xef: {  	[spmem:s2] =	stream.indirect.scatter.add.f32 [tilespmem:s23], [sflag:$0x6], $0x80, s13, s22, $0xb8;
	v63 =	vld [tilespmem:$0x0]  }
0xf0: {  	_ =	swait.ge [sflag:s28], $0x2800  }
0xf1: {  	s14 =	sld [smem:$0x7F4]  }
0xf2: {  	[sflag:s28] =	ssyncset.done $0x0  }
0xf3: {  	[sflag:s28] =	ssyncadd.s32 $0xFFFFD800  }
0xf4: {  	[tilespmem:s23], [sflag:$0x2] =	stream.indirect.gather [hbm4b:s4+s22], $0x80, s14, s22, $0xb8;
	v63 =	vld [tilespmem:$0x0]  }
0xf5: {  	_ =	swait.ge [sflag:s18], $0x2800  }
0xf6: {  	s12 =	sld [smem:$0x7F5]  }
0xf7: {  	[sflag:s18] =	ssyncset.done $0x0  }
0xf8: {  	[sflag:s18] =	ssyncadd.s32 $0xFFFFD800  }
0xf9: {  	[spmem:s2] =	stream.indirect.scatter.add.f32 [tilespmem:s24], [sflag:$0x7], $0x80, s12, s22, $0xb8;
	v63 =	vld [tilespmem:$0x0]  }
0xfa: {  	_ =	swait.ge [sflag:s29], $0x2800  }
0xfb: {  	s13 =	sld [smem:$0x7F6]  }
0xfc: {  	[sflag:s29] =	ssyncset.done $0x0  }
0xfd: {  	[sflag:s29] =	ssyncadd.s32 $0xFFFFD800  }
0xfe: {  	[tilespmem:s24], [sflag:$0x3] =	stream.indirect.gather [hbm4b:s4+s22], $0x80, s13, s22, $0xb8;
	v63 =	vld [tilespmem:$0x0]  }
0xff: {  	_ =	swait.ge [sflag:s19], $0x2800  }
0x100: {  	s14 =	sld [smem:$0x7F7]  }
0x101: {  	[sflag:s19] =	ssyncset.done $0x0  }
0x102: {  	[sflag:s19] =	ssyncadd.s32 $0xFFFFD800  }
0x103: {  	[spmem:s2] =	stream.indirect.scatter.add.f32 [tilespmem:s25], [sflag:$0x8], $0x80, s14, s22, $0xb8;
	v63 =	vld [tilespmem:$0x0]  }
0x104: {  	_ =	swait.ge [sflag:s30], $0x2800  }
0x105: {  	s12 =	sld [smem:$0x7F8]  }
0x106: {  	[sflag:s30] =	ssyncset.done $0x0  }
0x107: {  	[sflag:s30] =	ssyncadd.s32 $0xFFFFD800  }
0x108: {  	[tilespmem:s25], [sflag:$0x4] =	stream.indirect.gather [hbm4b:s4+s22], $0x80, s12, s22, $0xb8;
	v63 =	vld [tilespmem:$0x0]  }
0x109: {  	_ =	swait.ge [sflag:s16], $0x2800  }
0x10a: {  	s13 =	sld [smem:$0x7F9]  }
0x10b: {  	[sflag:s16] =	ssyncset.done $0x0  }
0x10c: {  	[sflag:s16] =	ssyncadd.s32 $0xFFFFD800  }
0x10d: {  	[spmem:s2] =	stream.indirect.scatter.add.f32 [tilespmem:s15], [sflag:$0x5], $0x80, s13, s22, $0xb8;
	v63 =	vld [tilespmem:$0x0]  }
0x10e: {  	_ =	swait.ge [sflag:s26], $0x2800  }
0x10f: {  	s14 =	sld [smem:$0x7FA]  }
0x110: {  	[sflag:s26] =	ssyncset.done $0x0  }
0x111: {  	[sflag:s26] =	ssyncadd.s32 $0xFFFFD800  }
0x112: {  	[tilespmem:s15], [sflag:$0x1] =	stream.indirect.gather [hbm4b:s4+s22], $0x80, s14, s22, $0xb8;
	v63 =	vld [tilespmem:$0x0]  }
0x113: {  	_ =	swait.ge [sflag:s17], $0x2800  }
0x114: {  	s12 =	sld [smem:$0x7FB]  }
0x115: {  	[sflag:s17] =	ssyncset.done $0x0  }
0x116: {  	[sflag:s17] =	ssyncadd.s32 $0xFFFFD800  }
0x117: {  	[spmem:s2] =	stream.indirect.scatter.add.f32 [tilespmem:s23], [sflag:$0x6], $0x80, s12, s22, $0xb8;
	v63 =	vld [tilespmem:$0x0]  }
0x118: {  	_ =	swait.ge [sflag:s28], $0x2800  }
0x119: {  	s13 =	sld [smem:$0x7FC]  }
0x11a: {  	[sflag:s28] =	ssyncset.done $0x0  }
0x11b: {  	[sflag:s28] =	ssyncadd.s32 $0xFFFFD800  }
0x11c: {  	[tilespmem:s23], [sflag:$0x2] =	stream.indirect.gather [hbm4b:s4+s22], $0x80, s13, s22, $0xb8;
	v63 =	vld [tilespmem:$0x0]  }
0x11d: {  	_ =	swait.ge [sflag:s18], $0x2800  }
0x11e: {  	s14 =	sld [smem:$0x7FD]  }
0x11f: {  	[sflag:s18] =	ssyncset.done $0x0  }
0x120: {  	[sflag:s18] =	ssyncadd.s32 $0xFFFFD800  }
0x121: {  	[spmem:s2] =	stream.indirect.scatter.add.f32 [tilespmem:s24], [sflag:$0x7], $0x80, s14, s22, $0xb8;
	v63 =	vld [tilespmem:$0x0]  }
0x122: {  	_ =	swait.ge [sflag:s29], $0x2800  }
0x123: {  	[sflag:s29] =	ssyncset.done $0x0  }
0x124: {  	[sflag:s29] =	ssyncadd.s32 $0xFFFFD800  }
0x125: {  	[tilespmem:s24], [sflag:$0x3] =	stream.indirect.gather [hbm4b:s4+s22], $0x80, s31, s22, $0xb8;
	v63 =	vld [tilespmem:$0x0]  }
0x126: {  	_ =	swait.ge [sflag:s19], $0x2800  }
0x127: {  	[sflag:s19] =	ssyncset.done $0x0  }
0x128: {  	[sflag:s19] =	ssyncadd.s32 $0xFFFFD800  }
0x129: {  	[spmem:s2] =	stream.indirect.scatter.add.f32 [tilespmem:s25], [sflag:$0x8], $0x80, s1, s22, $0xb8;
	v63 =	vld [tilespmem:$0x0]  }
0x12a: {  	_ =	swait.ge [sflag:s30], $0x2800  }
0x12b: {  	[sflag:s30] =	ssyncset.done $0x0  }
0x12c: {  	[sflag:s30] =	ssyncadd.s32 $0xFFFFD800  }
0x12d: {  	[tilespmem:s25], [sflag:$0x4] =	stream.indirect.gather [hbm4b:s4+s22], $0x80, s0, s22, $0xb8;
	v63 =	vld [tilespmem:$0x0]  }
0x12e: {  	_ =	swait.ge [sflag:s16], $0x2800  }
0x12f: {  	[sflag:s16] =	ssyncset.done $0x0  }
0x130: {  	[sflag:s16] =	ssyncadd.s32 $0xFFFFD800  }
0x131: {  	[spmem:s2] =	stream.indirect.scatter.add.f32 [tilespmem:s15], [sflag:$0x5], $0x80, s6, s22, $0xb8;
	v63 =	vld [tilespmem:$0x0]  }
0x132: {  	_ =	swait.ge [sflag:s26], $0x2800  }
0x133: {  	[sflag:s26] =	ssyncset.done $0x0  }
0x134: {  	[sflag:s26] =	ssyncadd.s32 $0xFFFFD800  }
0x135: {  	[tilespmem:s15], [sflag:$0x1] =	stream.indirect.gather [hbm4b:s4+s22], $0x80, s7, s22, $0xb8;
	v63 =	vld [tilespmem:$0x0]  }
0x136: {  	_ =	swait.ge [sflag:s17], $0x2800  }
0x137: {  	[sflag:s17] =	ssyncset.done $0x0  }
0x138: {  	[sflag:s17] =	ssyncadd.s32 $0xFFFFD800  }
0x139: {  	[spmem:s2] =	stream.indirect.scatter.add.f32 [tilespmem:s23], [sflag:$0x6], $0x80, s8, s22, $0xb8;
	v63 =	vld [tilespmem:$0x0]  }
0x13a: {  	_ =	swait.ge [sflag:s18], $0x2800  }
0x13b: {  	[sflag:s18] =	ssyncset.done $0x0  }
0x13c: {  	[sflag:s18] =	ssyncadd.s32 $0xFFFFD800  }
0x13d: {  	[spmem:s2] =	stream.indirect.scatter.add.f32 [tilespmem:s24], [sflag:$0x7], $0x80, s9, s22, $0xb8;
	v63 =	vld [tilespmem:$0x0]  }
0x13e: {  	_ =	swait.ge [sflag:s19], $0x2800  }
0x13f: {  	[sflag:s19] =	ssyncset.done $0x0  }
0x140: {  	[sflag:s19] =	ssyncadd.s32 $0xFFFFD800  }
0x141: {  	[spmem:s2] =	stream.indirect.scatter.add.f32 [tilespmem:s25], [sflag:$0x8], $0x80, s10, s22, $0xb8;
	v63 =	vld [tilespmem:$0x0]  }
0x142: {  	_ =	swait.ge [sflag:s16], $0x2800  }
0x143: {  	[sflag:s16] =	ssyncset.done $0x0  }
0x144: {  	[sflag:s16] =	ssyncadd.s32 $0xFFFFD800  }
0x145: {  	[spmem:s2] =	stream.indirect.scatter.add.f32 [tilespmem:s15], [sflag:$0x5], $0x80, s11, s22, $0xb8;
	v63 =	vld [tilespmem:$0x0]  }
0x146: {  	_ =	swait.ge [sflag:s28], $0x2800  }
0x147: {  	[sflag:s28] =	ssyncset.done $0x0  }
0x148: {  	[sflag:s28] =	ssyncadd.s32 $0xFFFFD800  }
0x149: {  	_ =	swait.ge [sflag:s29], $0x2800  }
0x14a: {  	[sflag:s29] =	ssyncset.done $0x0  }
0x14b: {  	[sflag:s29] =	ssyncadd.s32 $0xFFFFD800  }
0x14c: {  	_ =	swait.ge [sflag:s30], $0x2800  }
0x14d: {  	[sflag:s30] =	ssyncset.done $0x0  }
0x14e: {  	[sflag:s30] =	ssyncadd.s32 $0xFFFFD800  }
0x14f: {  	s13 =	simm.s32 $0x200;
	_ =	swait.ge [sflag:s26], $0x2800  }
0x150: {  	s14 =	simm.s32 $0x400;
	s5 =	rddreg [dreg:$0x4];
	[sflag:s26] =	ssyncset.done $0x0  }
.LBB2_4:
0x151: {  	[sflag:s26] =	ssyncadd.s32 $0xFFFFD800;
	s5 =	sadd.s32 s13, s5  }
0x152: {  	[tilespmem:s3], [sflag:$0x9] =	stream.linear.gather [hbm4b:s5+s3], $0xC80, $0x38;
	v63 =	vld [tilespmem:$0x0]  }
0x153: {  	_ =	swait.ge [sflag:s20], $0xC80  }
0x154: {  	s5 =	rddreg [dreg:$0x3];
	[sflag:s20] =	ssyncset.done $0x0  }
0x155: {  	[sflag:s20] =	ssyncadd.s32 $0xFFFFF380;
	s5 =	sadd.s32 s13, s5  }
0x156: {  	[tilespmem:s21], [sflag:$0x9] =	stream.linear.gather [hbm4b:s5+s3], $0xC80, $0x38;
	v63 =	vld [tilespmem:$0x0]  }
0x157: {  	_ =	swait.ge [sflag:s20], $0xC80  }
0x158: {  	[sflag:s20] =	ssyncset.done $0x0  }
0x159: {  	[sflag:s20] =	ssyncadd.s32 $0xFFFFF380  }
0x15a: {  	[tilespmem:s15], [sflag:$0x1] =	stream.indirect.gather [hbm4b:s4+s22], $0x80, s3, s22, $0xb8;
	v63 =	vld [tilespmem:$0x0]  }
0x15b: {  	s12 =	smov.u32 s14;
	s5 =	rddreg [dreg:$0x5]  }
0x15c: {  	[tilespmem:s23], [sflag:$0x2] =	stream.indirect.gather [hbm4b:s4+s22], $0x80, s5, s22, $0xb8;
	v63 =	vld [tilespmem:$0x0]  }
0x15d: {  	s13 =	smov.u32 s12;
	s12 =	rddreg [dreg:$0x6]  }
0x15e: {  	[tilespmem:s24], [sflag:$0x3] =	stream.indirect.gather [hbm4b:s4+s22], $0x80, s12, s22, $0xb8;
	v63 =	vld [tilespmem:$0x0]  }
0x15f: {  	s5 =	rddreg [dreg:$0x7]  }
0x160: {  	[tilespmem:s25], [sflag:$0x4] =	stream.indirect.gather [hbm4b:s4+s22], $0x80, s5, s22, $0xb8;
	v63 =	vld [tilespmem:$0x0]  }
0x161: {  	_ =	swait.ge [sflag:s16], $0x2800  }
0x162: {  	[sflag:s16] =	ssyncset.done $0x0  }
0x163: {  	[sflag:s16] =	ssyncadd.s32 $0xFFFFD800  }
0x164: {  	[spmem:s2] =	stream.indirect.scatter.add.f32 [tilespmem:s15], [sflag:$0x5], $0x80, s21, s22, $0xb8;
	v63 =	vld [tilespmem:$0x0]  }
0x165: {  	_ =	swait.ge [sflag:s26], $0x2800  }
0x166: {  	[sflag:s26] =	ssyncset.done $0x0  }
0x167: {  	s12 =	rddreg [dreg:$0x8];
	[sflag:s26] =	ssyncadd.s32 $0xFFFFD800  }
0x168: {  	[tilespmem:s15], [sflag:$0x1] =	stream.indirect.gather [hbm4b:s4+s22], $0x80, s12, s22, $0xb8;
	v63 =	vld [tilespmem:$0x0]  }
0x169: {  	_ =	swait.ge [sflag:s17], $0x2800  }
0x16a: {  	[sflag:s17] =	ssyncset.done $0x0  }
0x16b: {  	s12 =	rddreg [dreg:$0x9];
	[sflag:s17] =	ssyncadd.s32 $0xFFFFD800  }
0x16c: {  	[spmem:s2] =	stream.indirect.scatter.add.f32 [tilespmem:s23], [sflag:$0x6], $0x80, s12, s22, $0xb8;
	v63 =	vld [tilespmem:$0x0]  }
0x16d: {  	_ =	swait.ge [sflag:s28], $0x2800  }
0x16e: {  	[sflag:s28] =	ssyncset.done $0x0  }
0x16f: {  	s12 =	rddreg [dreg:$0xa];
	[sflag:s28] =	ssyncadd.s32 $0xFFFFD800  }
0x170: {  	[tilespmem:s23], [sflag:$0x2] =	stream.indirect.gather [hbm4b:s4+s22], $0x80, s12, s22, $0xb8;
	v63 =	vld [tilespmem:$0x0]  }
0x171: {  	_ =	swait.ge [sflag:s18], $0x2800  }
0x172: {  	[sflag:s18] =	ssyncset.done $0x0  }
0x173: {  	s12 =	rddreg [dreg:$0xb];
	[sflag:s18] =	ssyncadd.s32 $0xFFFFD800  }
0x174: {  	[spmem:s2] =	stream.indirect.scatter.add.f32 [tilespmem:s24], [sflag:$0x7], $0x80, s12, s22, $0xb8;
	v63 =	vld [tilespmem:$0x0]  }
0x175: {  	_ =	swait.ge [sflag:s29], $0x2800  }
0x176: {  	[sflag:s29] =	ssyncset.done $0x0  }
0x177: {  	s12 =	rddreg [dreg:$0xc];
	[sflag:s29] =	ssyncadd.s32 $0xFFFFD800  }
0x178: {  	[tilespmem:s24], [sflag:$0x3] =	stream.indirect.gather [hbm4b:s4+s22], $0x80, s12, s22, $0xb8;
	v63 =	vld [tilespmem:$0x0]  }
0x179: {  	_ =	swait.ge [sflag:s19], $0x2800  }
0x17a: {  	[sflag:s19] =	ssyncset.done $0x0  }
0x17b: {  	s12 =	rddreg [dreg:$0xd];
	[sflag:s19] =	ssyncadd.s32 $0xFFFFD800  }
0x17c: {  	[spmem:s2] =	stream.indirect.scatter.add.f32 [tilespmem:s25], [sflag:$0x8], $0x80, s12, s22, $0xb8;
	v63 =	vld [tilespmem:$0x0]  }
0x17d: {  	_ =	swait.ge [sflag:s30], $0x2800  }
0x17e: {  	[sflag:s30] =	ssyncset.done $0x0  }
0x17f: {  	s12 =	rddreg [dreg:$0xe];
	[sflag:s30] =	ssyncadd.s32 $0xFFFFD800  }
0x180: {  	[tilespmem:s25], [sflag:$0x4] =	stream.indirect.gather [hbm4b:s4+s22], $0x80, s12, s22, $0xb8;
	v63 =	vld [tilespmem:$0x0]  }
0x181: {  	_ =	swait.ge [sflag:s16], $0x2800  }
0x182: {  	[sflag:s16] =	ssyncset.done $0x0  }
0x183: {  	s12 =	rddreg [dreg:$0xf];
	[sflag:s16] =	ssyncadd.s32 $0xFFFFD800  }
0x184: {  	[spmem:s2] =	stream.indirect.scatter.add.f32 [tilespmem:s15], [sflag:$0x5], $0x80, s12, s22, $0xb8;
	v63 =	vld [tilespmem:$0x0]  }
0x185: {  	_ =	swait.ge [sflag:s26], $0x2800  }
0x186: {  	[sflag:s26] =	ssyncset.done $0x0  }
0x187: {  	s12 =	rddreg [dreg:$0x10];
	[sflag:s26] =	ssyncadd.s32 $0xFFFFD800  }
0x188: {  	[tilespmem:s15], [sflag:$0x1] =	stream.indirect.gather [hbm4b:s4+s22], $0x80, s12, s22, $0xb8;
	v63 =	vld [tilespmem:$0x0]  }
0x189: {  	_ =	swait.ge [sflag:s17], $0x2800  }
0x18a: {  	[sflag:s17] =	ssyncset.done $0x0  }
0x18b: {  	s12 =	rddreg [dreg:$0x11];
	[sflag:s17] =	ssyncadd.s32 $0xFFFFD800  }
0x18c: {  	[spmem:s2] =	stream.indirect.scatter.add.f32 [tilespmem:s23], [sflag:$0x6], $0x80, s12, s22, $0xb8;
	v63 =	vld [tilespmem:$0x0]  }
0x18d: {  	_ =	swait.ge [sflag:s28], $0x2800  }
0x18e: {  	[sflag:s28] =	ssyncset.done $0x0  }
0x18f: {  	s12 =	rddreg [dreg:$0x12];
	[sflag:s28] =	ssyncadd.s32 $0xFFFFD800  }
0x190: {  	[tilespmem:s23], [sflag:$0x2] =	stream.indirect.gather [hbm4b:s4+s22], $0x80, s12, s22, $0xb8;
	v63 =	vld [tilespmem:$0x0]  }
0x191: {  	_ =	swait.ge [sflag:s18], $0x2800  }
0x192: {  	[sflag:s18] =	ssyncset.done $0x0  }
0x193: {  	s12 =	rddreg [dreg:$0x13];
	[sflag:s18] =	ssyncadd.s32 $0xFFFFD800  }
0x194: {  	[spmem:s2] =	stream.indirect.scatter.add.f32 [tilespmem:s24], [sflag:$0x7], $0x80, s12, s22, $0xb8;
	v63 =	vld [tilespmem:$0x0]  }
0x195: {  	_ =	swait.ge [sflag:s29], $0x2800  }
0x196: {  	[sflag:s29] =	ssyncset.done $0x0  }
0x197: {  	s12 =	rddreg [dreg:$0x14];
	[sflag:s29] =	ssyncadd.s32 $0xFFFFD800  }
0x198: {  	[tilespmem:s24], [sflag:$0x3] =	stream.indirect.gather [hbm4b:s4+s22], $0x80, s12, s22, $0xb8;
	v63 =	vld [tilespmem:$0x0]  }
0x199: {  	_ =	swait.ge [sflag:s19], $0x2800  }
0x19a: {  	[sflag:s19] =	ssyncset.done $0x0  }
0x19b: {  	s12 =	rddreg [dreg:$0x15];
	[sflag:s19] =	ssyncadd.s32 $0xFFFFD800  }
0x19c: {  	[spmem:s2] =	stream.indirect.scatter.add.f32 [tilespmem:s25], [sflag:$0x8], $0x80, s12, s22, $0xb8;
	v63 =	vld [tilespmem:$0x0]  }
0x19d: {  	_ =	swait.ge [sflag:s30], $0x2800  }
0x19e: {  	[sflag:s30] =	ssyncset.done $0x0  }
0x19f: {  	s12 =	rddreg [dreg:$0x16];
	[sflag:s30] =	ssyncadd.s32 $0xFFFFD800  }
0x1a0: {  	[tilespmem:s25], [sflag:$0x4] =	stream.indirect.gather [hbm4b:s4+s22], $0x80, s12, s22, $0xb8;
	v63 =	vld [tilespmem:$0x0]  }
0x1a1: {  	_ =	swait.ge [sflag:s16], $0x2800  }
0x1a2: {  	[sflag:s16] =	ssyncset.done $0x0  }
0x1a3: {  	s12 =	rddreg [dreg:$0x17];
	[sflag:s16] =	ssyncadd.s32 $0xFFFFD800  }
0x1a4: {  	[spmem:s2] =	stream.indirect.scatter.add.f32 [tilespmem:s15], [sflag:$0x5], $0x80, s12, s22, $0xb8;
	v63 =	vld [tilespmem:$0x0]  }
0x1a5: {  	_ =	swait.ge [sflag:s26], $0x2800  }
0x1a6: {  	[sflag:s26] =	ssyncset.done $0x0  }
0x1a7: {  	s12 =	rddreg [dreg:$0x18];
	[sflag:s26] =	ssyncadd.s32 $0xFFFFD800  }
0x1a8: {  	[tilespmem:s15], [sflag:$0x1] =	stream.indirect.gather [hbm4b:s4+s22], $0x80, s12, s22, $0xb8;
	v63 =	vld [tilespmem:$0x0]  }
0x1a9: {  	_ =	swait.ge [sflag:s17], $0x2800  }
0x1aa: {  	[sflag:s17] =	ssyncset.done $0x0  }
0x1ab: {  	s12 =	rddreg [dreg:$0x19];
	[sflag:s17] =	ssyncadd.s32 $0xFFFFD800  }
0x1ac: {  	[spmem:s2] =	stream.indirect.scatter.add.f32 [tilespmem:s23], [sflag:$0x6], $0x80, s12, s22, $0xb8;
	v63 =	vld [tilespmem:$0x0]  }
0x1ad: {  	_ =	swait.ge [sflag:s28], $0x2800  }
0x1ae: {  	[sflag:s28] =	ssyncset.done $0x0  }
0x1af: {  	s12 =	rddreg [dreg:$0x1a];
	[sflag:s28] =	ssyncadd.s32 $0xFFFFD800  }
0x1b0: {  	[tilespmem:s23], [sflag:$0x2] =	stream.indirect.gather [hbm4b:s4+s22], $0x80, s12, s22, $0xb8;
	v63 =	vld [tilespmem:$0x0]  }
0x1b1: {  	_ =	swait.ge [sflag:s18], $0x2800  }
0x1b2: {  	[sflag:s18] =	ssyncset.done $0x0  }
0x1b3: {  	s12 =	rddreg [dreg:$0x1b];
	[sflag:s18] =	ssyncadd.s32 $0xFFFFD800  }
0x1b4: {  	[spmem:s2] =	stream.indirect.scatter.add.f32 [tilespmem:s24], [sflag:$0x7], $0x80, s12, s22, $0xb8;
	v63 =	vld [tilespmem:$0x0]  }
0x1b5: {  	_ =	swait.ge [sflag:s29], $0x2800  }
0x1b6: {  	[sflag:s29] =	ssyncset.done $0x0  }
0x1b7: {  	s12 =	rddreg [dreg:$0x1c];
	[sflag:s29] =	ssyncadd.s32 $0xFFFFD800  }
0x1b8: {  	[tilespmem:s24], [sflag:$0x3] =	stream.indirect.gather [hbm4b:s4+s22], $0x80, s12, s22, $0xb8;
	v63 =	vld [tilespmem:$0x0]  }
0x1b9: {  	_ =	swait.ge [sflag:s19], $0x2800  }
0x1ba: {  	[sflag:s19] =	ssyncset.done $0x0  }
0x1bb: {  	s12 =	rddreg [dreg:$0x1d];
	[sflag:s19] =	ssyncadd.s32 $0xFFFFD800  }
0x1bc: {  	[spmem:s2] =	stream.indirect.scatter.add.f32 [tilespmem:s25], [sflag:$0x8], $0x80, s12, s22, $0xb8;
	v63 =	vld [tilespmem:$0x0]  }
0x1bd: {  	_ =	swait.ge [sflag:s30], $0x2800  }
0x1be: {  	[sflag:s30] =	ssyncset.done $0x0  }
0x1bf: {  	s12 =	rddreg [dreg:$0x1e];
	[sflag:s30] =	ssyncadd.s32 $0xFFFFD800  }
0x1c0: {  	[tilespmem:s25], [sflag:$0x4] =	stream.indirect.gather [hbm4b:s4+s22], $0x80, s12, s22, $0xb8;
	v63 =	vld [tilespmem:$0x0]  }
0x1c1: {  	_ =	swait.ge [sflag:s16], $0x2800  }
0x1c2: {  	[sflag:s16] =	ssyncset.done $0x0  }
0x1c3: {  	s12 =	rddreg [dreg:$0x1f];
	[sflag:s16] =	ssyncadd.s32 $0xFFFFD800  }
0x1c4: {  	[spmem:s2] =	stream.indirect.scatter.add.f32 [tilespmem:s15], [sflag:$0x5], $0x80, s12, s22, $0xb8;
	v63 =	vld [tilespmem:$0x0]  }
0x1c5: {  	_ =	swait.ge [sflag:s26], $0x2800  }
0x1c6: {  	s12 =	sld [smem:$0x7F0]  }
0x1c7: {  	[sflag:s26] =	ssyncset.done $0x0  }
0x1c8: {  	[sflag:s26] =	ssyncadd.s32 $0xFFFFD800  }
0x1c9: {  	[tilespmem:s15], [sflag:$0x1] =	stream.indirect.gather [hbm4b:s4+s22], $0x80, s12, s22, $0xb8;
	v63 =	vld [tilespmem:$0x0]  }
0x1ca: {  	_ =	swait.ge [sflag:s17], $0x2800  }
0x1cb: {  	s12 =	sld [smem:$0x7F2]  }
0x1cc: {  	[sflag:s17] =	ssyncset.done $0x0  }
0x1cd: {  	[sflag:s17] =	ssyncadd.s32 $0xFFFFD800  }
0x1ce: {  	[spmem:s2] =	stream.indirect.scatter.add.f32 [tilespmem:s23], [sflag:$0x6], $0x80, s12, s22, $0xb8;
	v63 =	vld [tilespmem:$0x0]  }
0x1cf: {  	_ =	swait.ge [sflag:s28], $0x2800  }
0x1d0: {  	s12 =	sld [smem:$0x7F4]  }
0x1d1: {  	[sflag:s28] =	ssyncset.done $0x0  }
0x1d2: {  	[sflag:s28] =	ssyncadd.s32 $0xFFFFD800  }
0x1d3: {  	[tilespmem:s23], [sflag:$0x2] =	stream.indirect.gather [hbm4b:s4+s22], $0x80, s12, s22, $0xb8;
	v63 =	vld [tilespmem:$0x0]  }
0x1d4: {  	_ =	swait.ge [sflag:s18], $0x2800  }
0x1d5: {  	s12 =	sld [smem:$0x7F5]  }
0x1d6: {  	[sflag:s18] =	ssyncset.done $0x0  }
0x1d7: {  	[sflag:s18] =	ssyncadd.s32 $0xFFFFD800  }
0x1d8: {  	[spmem:s2] =	stream.indirect.scatter.add.f32 [tilespmem:s24], [sflag:$0x7], $0x80, s12, s22, $0xb8;
	v63 =	vld [tilespmem:$0x0]  }
0x1d9: {  	_ =	swait.ge [sflag:s29], $0x2800  }
0x1da: {  	s12 =	sld [smem:$0x7F6]  }
0x1db: {  	[sflag:s29] =	ssyncset.done $0x0  }
0x1dc: {  	[sflag:s29] =	ssyncadd.s32 $0xFFFFD800  }
0x1dd: {  	[tilespmem:s24], [sflag:$0x3] =	stream.indirect.gather [hbm4b:s4+s22], $0x80, s12, s22, $0xb8;
	v63 =	vld [tilespmem:$0x0]  }
0x1de: {  	_ =	swait.ge [sflag:s19], $0x2800  }
0x1df: {  	s12 =	sld [smem:$0x7F7]  }
0x1e0: {  	[sflag:s19] =	ssyncset.done $0x0  }
0x1e1: {  	[sflag:s19] =	ssyncadd.s32 $0xFFFFD800  }
0x1e2: {  	[spmem:s2] =	stream.indirect.scatter.add.f32 [tilespmem:s25], [sflag:$0x8], $0x80, s12, s22, $0xb8;
	v63 =	vld [tilespmem:$0x0]  }
0x1e3: {  	_ =	swait.ge [sflag:s30], $0x2800  }
0x1e4: {  	s12 =	sld [smem:$0x7F8]  }
0x1e5: {  	[sflag:s30] =	ssyncset.done $0x0  }
0x1e6: {  	[sflag:s30] =	ssyncadd.s32 $0xFFFFD800  }
0x1e7: {  	[tilespmem:s25], [sflag:$0x4] =	stream.indirect.gather [hbm4b:s4+s22], $0x80, s12, s22, $0xb8;
	v63 =	vld [tilespmem:$0x0]  }
0x1e8: {  	_ =	swait.ge [sflag:s16], $0x2800  }
0x1e9: {  	s12 =	sld [smem:$0x7F9]  }
0x1ea: {  	[sflag:s16] =	ssyncset.done $0x0  }
0x1eb: {  	[sflag:s16] =	ssyncadd.s32 $0xFFFFD800  }
0x1ec: {  	[spmem:s2] =	stream.indirect.scatter.add.f32 [tilespmem:s15], [sflag:$0x5], $0x80, s12, s22, $0xb8;
	v63 =	vld [tilespmem:$0x0]  }
0x1ed: {  	_ =	swait.ge [sflag:s26], $0x2800  }
0x1ee: {  	s12 =	sld [smem:$0x7FA]  }
0x1ef: {  	[sflag:s26] =	ssyncset.done $0x0  }
0x1f0: {  	[sflag:s26] =	ssyncadd.s32 $0xFFFFD800  }
0x1f1: {  	[tilespmem:s15], [sflag:$0x1] =	stream.indirect.gather [hbm4b:s4+s22], $0x80, s12, s22, $0xb8;
	v63 =	vld [tilespmem:$0x0]  }
0x1f2: {  	_ =	swait.ge [sflag:s17], $0x2800  }
0x1f3: {  	s12 =	sld [smem:$0x7FB]  }
0x1f4: {  	[sflag:s17] =	ssyncset.done $0x0  }
0x1f5: {  	[sflag:s17] =	ssyncadd.s32 $0xFFFFD800  }
0x1f6: {  	[spmem:s2] =	stream.indirect.scatter.add.f32 [tilespmem:s23], [sflag:$0x6], $0x80, s12, s22, $0xb8;
	v63 =	vld [tilespmem:$0x0]  }
0x1f7: {  	_ =	swait.ge [sflag:s28], $0x2800  }
0x1f8: {  	s12 =	sld [smem:$0x7FC]  }
0x1f9: {  	[sflag:s28] =	ssyncset.done $0x0  }
0x1fa: {  	[sflag:s28] =	ssyncadd.s32 $0xFFFFD800  }
0x1fb: {  	[tilespmem:s23], [sflag:$0x2] =	stream.indirect.gather [hbm4b:s4+s22], $0x80, s12, s22, $0xb8;
	v63 =	vld [tilespmem:$0x0]  }
0x1fc: {  	_ =	swait.ge [sflag:s18], $0x2800  }
0x1fd: {  	s12 =	sld [smem:$0x7FD]  }
0x1fe: {  	[sflag:s18] =	ssyncset.done $0x0  }
0x1ff: {  	[sflag:s18] =	ssyncadd.s32 $0xFFFFD800  }
0x200: {  	[spmem:s2] =	stream.indirect.scatter.add.f32 [tilespmem:s24], [sflag:$0x7], $0x80, s12, s22, $0xb8;
	v63 =	vld [tilespmem:$0x0]  }
0x201: {  	_ =	swait.ge [sflag:s29], $0x2800  }
0x202: {  	[sflag:s29] =	ssyncset.done $0x0  }
0x203: {  	[sflag:s29] =	ssyncadd.s32 $0xFFFFD800  }
0x204: {  	[tilespmem:s24], [sflag:$0x3] =	stream.indirect.gather [hbm4b:s4+s22], $0x80, s31, s22, $0xb8;
	v63 =	vld [tilespmem:$0x0]  }
0x205: {  	_ =	swait.ge [sflag:s19], $0x2800  }
0x206: {  	[sflag:s19] =	ssyncset.done $0x0  }
0x207: {  	[sflag:s19] =	ssyncadd.s32 $0xFFFFD800  }
0x208: {  	[spmem:s2] =	stream.indirect.scatter.add.f32 [tilespmem:s25], [sflag:$0x8], $0x80, s1, s22, $0xb8;
	v63 =	vld [tilespmem:$0x0]  }
0x209: {  	_ =	swait.ge [sflag:s30], $0x2800  }
0x20a: {  	[sflag:s30] =	ssyncset.done $0x0  }
0x20b: {  	[sflag:s30] =	ssyncadd.s32 $0xFFFFD800  }
0x20c: {  	[tilespmem:s25], [sflag:$0x4] =	stream.indirect.gather [hbm4b:s4+s22], $0x80, s0, s22, $0xb8;
	v63 =	vld [tilespmem:$0x0]  }
0x20d: {  	_ =	swait.ge [sflag:s16], $0x2800  }
0x20e: {  	[sflag:s16] =	ssyncset.done $0x0  }
0x20f: {  	[sflag:s16] =	ssyncadd.s32 $0xFFFFD800  }
0x210: {  	[spmem:s2] =	stream.indirect.scatter.add.f32 [tilespmem:s15], [sflag:$0x5], $0x80, s6, s22, $0xb8;
	v63 =	vld [tilespmem:$0x0]  }
0x211: {  	_ =	swait.ge [sflag:s26], $0x2800  }
0x212: {  	[sflag:s26] =	ssyncset.done $0x0  }
0x213: {  	[sflag:s26] =	ssyncadd.s32 $0xFFFFD800  }
0x214: {  	[tilespmem:s15], [sflag:$0x1] =	stream.indirect.gather [hbm4b:s4+s22], $0x80, s7, s22, $0xb8;
	v63 =	vld [tilespmem:$0x0]  }
0x215: {  	_ =	swait.ge [sflag:s17], $0x2800  }
0x216: {  	[sflag:s17] =	ssyncset.done $0x0  }
0x217: {  	[sflag:s17] =	ssyncadd.s32 $0xFFFFD800  }
0x218: {  	[spmem:s2] =	stream.indirect.scatter.add.f32 [tilespmem:s23], [sflag:$0x6], $0x80, s8, s22, $0xb8;
	v63 =	vld [tilespmem:$0x0]  }
0x219: {  	_ =	swait.ge [sflag:s18], $0x2800  }
0x21a: {  	[sflag:s18] =	ssyncset.done $0x0  }
0x21b: {  	[sflag:s18] =	ssyncadd.s32 $0xFFFFD800  }
0x21c: {  	[spmem:s2] =	stream.indirect.scatter.add.f32 [tilespmem:s24], [sflag:$0x7], $0x80, s9, s22, $0xb8;
	v63 =	vld [tilespmem:$0x0]  }
0x21d: {  	_ =	swait.ge [sflag:s19], $0x2800  }
0x21e: {  	[sflag:s19] =	ssyncset.done $0x0  }
0x21f: {  	[sflag:s19] =	ssyncadd.s32 $0xFFFFD800  }
0x220: {  	[spmem:s2] =	stream.indirect.scatter.add.f32 [tilespmem:s25], [sflag:$0x8], $0x80, s10, s22, $0xb8;
	v63 =	vld [tilespmem:$0x0]  }
0x221: {  	_ =	swait.ge [sflag:s16], $0x2800  }
0x222: {  	[sflag:s16] =	ssyncset.done $0x0  }
0x223: {  	[sflag:s16] =	ssyncadd.s32 $0xFFFFD800  }
0x224: {  	[spmem:s2] =	stream.indirect.scatter.add.f32 [tilespmem:s15], [sflag:$0x5], $0x80, s11, s22, $0xb8;
	v63 =	vld [tilespmem:$0x0]  }
0x225: {  	_ =	swait.ge [sflag:s28], $0x2800  }
0x226: {  	[sflag:s28] =	ssyncset.done $0x0  }
0x227: {  	[sflag:s28] =	ssyncadd.s32 $0xFFFFD800  }
0x228: {  	_ =	swait.ge [sflag:s29], $0x2800  }
0x229: {  	[sflag:s29] =	ssyncset.done $0x0  }
0x22a: {  	p0 =	sne.s32 s14, $0x800;
	[sflag:s29] =	ssyncadd.s32 $0xFFFFD800  }
.Ltmp1:
0x22b: {  	_ =	swait.ge [sflag:s30], $0x2800;
	(pc) =	sbr.rel @p0 .LBB2_4-.Ltmp1, $4  }
0x22c: {  	[sflag:s30] =	ssyncset.done $0x0  }
0x22d: {  	[sflag:s30] =	ssyncadd.s32 $0xFFFFD800  }
0x22e: {  	_ =	swait.ge [sflag:s26], $0x2800  }
0x22f: {  	s14 =	sadd.s32 $0x200, s14;
	s5 =	rddreg [dreg:$0x4];
	[sflag:s26] =	ssyncset.done $0x0  }
0x230: {  	[sflag:s26] =	ssyncadd.s32 $0xFFFFD800;
	s5 =	sadd.s32 s13, s5  }
0x231: {  	[tilespmem:s3], [sflag:$0x9] =	stream.linear.gather [hbm4b:s5+s3], $0xC80, $0x38;
	v63 =	vld [tilespmem:$0x0]  }
0x232: {  	_ =	swait.ge [sflag:s20], $0xC80  }
0x233: {  	s12 =	rddreg [dreg:$0x3];
	[sflag:s20] =	ssyncset.done $0x0  }
0x234: {  	[sflag:s20] =	ssyncadd.s32 $0xFFFFF380;
	s5 =	sadd.s32 s13, s12  }
0x235: {  	[tilespmem:s21], [sflag:$0x9] =	stream.linear.gather [hbm4b:s5+s3], $0xC80, $0x38;
	v63 =	vld [tilespmem:$0x0]  }
0x236: {  	_ =	swait.ge [sflag:s20], $0xC80  }
0x237: {  	[sflag:s20] =	ssyncset.done $0x0  }
0x238: {  	[sflag:s20] =	ssyncadd.s32 $0xFFFFF380  }
0x239: {  	[tilespmem:s15], [sflag:$0x1] =	stream.indirect.gather [hbm4b:s4+s22], $0x80, s3, s22, $0xb8;
	v63 =	vld [tilespmem:$0x0]  }
0x23a: {  	s13 =	rddreg [dreg:$0x5]  }
0x23b: {  	[tilespmem:s23], [sflag:$0x2] =	stream.indirect.gather [hbm4b:s4+s22], $0x80, s13, s22, $0xb8;
	v63 =	vld [tilespmem:$0x0]  }
0x23c: {  	s12 =	rddreg [dreg:$0x6]  }
0x23d: {  	[tilespmem:s24], [sflag:$0x3] =	stream.indirect.gather [hbm4b:s4+s22], $0x80, s12, s22, $0xb8;
	v63 =	vld [tilespmem:$0x0]  }
0x23e: {  	s14 =	rddreg [dreg:$0x7]  }
0x23f: {  	[tilespmem:s25], [sflag:$0x4] =	stream.indirect.gather [hbm4b:s4+s22], $0x80, s14, s22, $0xb8;
	v63 =	vld [tilespmem:$0x0]  }
0x240: {  	_ =	swait.ge [sflag:s16], $0x2800  }
0x241: {  	[sflag:s16] =	ssyncset.done $0x0  }
0x242: {  	[sflag:s16] =	ssyncadd.s32 $0xFFFFD800  }
0x243: {  	[spmem:s2] =	stream.indirect.scatter.add.f32 [tilespmem:s15], [sflag:$0x5], $0x80, s21, s22, $0xb8;
	v63 =	vld [tilespmem:$0x0]  }
0x244: {  	_ =	swait.ge [sflag:s26], $0x2800  }
0x245: {  	[sflag:s26] =	ssyncset.done $0x0  }
0x246: {  	s12 =	rddreg [dreg:$0x8];
	[sflag:s26] =	ssyncadd.s32 $0xFFFFD800  }
0x247: {  	[tilespmem:s15], [sflag:$0x1] =	stream.indirect.gather [hbm4b:s4+s22], $0x80, s12, s22, $0xb8;
	v63 =	vld [tilespmem:$0x0]  }
0x248: {  	_ =	swait.ge [sflag:s17], $0x2800  }
0x249: {  	[sflag:s17] =	ssyncset.done $0x0  }
0x24a: {  	s13 =	rddreg [dreg:$0x9];
	[sflag:s17] =	ssyncadd.s32 $0xFFFFD800  }
0x24b: {  	[spmem:s2] =	stream.indirect.scatter.add.f32 [tilespmem:s23], [sflag:$0x6], $0x80, s13, s22, $0xb8;
	v63 =	vld [tilespmem:$0x0]  }
0x24c: {  	_ =	swait.ge [sflag:s28], $0x2800  }
0x24d: {  	[sflag:s28] =	ssyncset.done $0x0  }
0x24e: {  	s14 =	rddreg [dreg:$0xa];
	[sflag:s28] =	ssyncadd.s32 $0xFFFFD800  }
0x24f: {  	[tilespmem:s23], [sflag:$0x2] =	stream.indirect.gather [hbm4b:s4+s22], $0x80, s14, s22, $0xb8;
	v63 =	vld [tilespmem:$0x0]  }
0x250: {  	_ =	swait.ge [sflag:s18], $0x2800  }
0x251: {  	[sflag:s18] =	ssyncset.done $0x0  }
0x252: {  	s12 =	rddreg [dreg:$0xb];
	[sflag:s18] =	ssyncadd.s32 $0xFFFFD800  }
0x253: {  	[spmem:s2] =	stream.indirect.scatter.add.f32 [tilespmem:s24], [sflag:$0x7], $0x80, s12, s22, $0xb8;
	v63 =	vld [tilespmem:$0x0]  }
0x254: {  	_ =	swait.ge [sflag:s29], $0x2800  }
0x255: {  	[sflag:s29] =	ssyncset.done $0x0  }
0x256: {  	s13 =	rddreg [dreg:$0xc];
	[sflag:s29] =	ssyncadd.s32 $0xFFFFD800  }
0x257: {  	[tilespmem:s24], [sflag:$0x3] =	stream.indirect.gather [hbm4b:s4+s22], $0x80, s13, s22, $0xb8;
	v63 =	vld [tilespmem:$0x0]  }
0x258: {  	_ =	swait.ge [sflag:s19], $0x2800  }
0x259: {  	[sflag:s19] =	ssyncset.done $0x0  }
0x25a: {  	s14 =	rddreg [dreg:$0xd];
	[sflag:s19] =	ssyncadd.s32 $0xFFFFD800  }
0x25b: {  	[spmem:s2] =	stream.indirect.scatter.add.f32 [tilespmem:s25], [sflag:$0x8], $0x80, s14, s22, $0xb8;
	v63 =	vld [tilespmem:$0x0]  }
0x25c: {  	_ =	swait.ge [sflag:s30], $0x2800  }
0x25d: {  	[sflag:s30] =	ssyncset.done $0x0  }
0x25e: {  	s12 =	rddreg [dreg:$0xe];
	[sflag:s30] =	ssyncadd.s32 $0xFFFFD800  }
0x25f: {  	[tilespmem:s25], [sflag:$0x4] =	stream.indirect.gather [hbm4b:s4+s22], $0x80, s12, s22, $0xb8;
	v63 =	vld [tilespmem:$0x0]  }
0x260: {  	_ =	swait.ge [sflag:s16], $0x2800  }
0x261: {  	[sflag:s16] =	ssyncset.done $0x0  }
0x262: {  	s13 =	rddreg [dreg:$0xf];
	[sflag:s16] =	ssyncadd.s32 $0xFFFFD800  }
0x263: {  	[spmem:s2] =	stream.indirect.scatter.add.f32 [tilespmem:s15], [sflag:$0x5], $0x80, s13, s22, $0xb8;
	v63 =	vld [tilespmem:$0x0]  }
0x264: {  	_ =	swait.ge [sflag:s26], $0x2800  }
0x265: {  	[sflag:s26] =	ssyncset.done $0x0  }
0x266: {  	s14 =	rddreg [dreg:$0x10];
	[sflag:s26] =	ssyncadd.s32 $0xFFFFD800  }
0x267: {  	[tilespmem:s15], [sflag:$0x1] =	stream.indirect.gather [hbm4b:s4+s22], $0x80, s14, s22, $0xb8;
	v63 =	vld [tilespmem:$0x0]  }
0x268: {  	_ =	swait.ge [sflag:s17], $0x2800  }
0x269: {  	[sflag:s17] =	ssyncset.done $0x0  }
0x26a: {  	s12 =	rddreg [dreg:$0x11];
	[sflag:s17] =	ssyncadd.s32 $0xFFFFD800  }
0x26b: {  	[spmem:s2] =	stream.indirect.scatter.add.f32 [tilespmem:s23], [sflag:$0x6], $0x80, s12, s22, $0xb8;
	v63 =	vld [tilespmem:$0x0]  }
0x26c: {  	_ =	swait.ge [sflag:s28], $0x2800  }
0x26d: {  	[sflag:s28] =	ssyncset.done $0x0  }
0x26e: {  	s13 =	rddreg [dreg:$0x12];
	[sflag:s28] =	ssyncadd.s32 $0xFFFFD800  }
0x26f: {  	[tilespmem:s23], [sflag:$0x2] =	stream.indirect.gather [hbm4b:s4+s22], $0x80, s13, s22, $0xb8;
	v63 =	vld [tilespmem:$0x0]  }
0x270: {  	_ =	swait.ge [sflag:s18], $0x2800  }
0x271: {  	[sflag:s18] =	ssyncset.done $0x0  }
0x272: {  	s14 =	rddreg [dreg:$0x13];
	[sflag:s18] =	ssyncadd.s32 $0xFFFFD800  }
0x273: {  	[spmem:s2] =	stream.indirect.scatter.add.f32 [tilespmem:s24], [sflag:$0x7], $0x80, s14, s22, $0xb8;
	v63 =	vld [tilespmem:$0x0]  }
0x274: {  	_ =	swait.ge [sflag:s29], $0x2800  }
0x275: {  	[sflag:s29] =	ssyncset.done $0x0  }
0x276: {  	s12 =	rddreg [dreg:$0x14];
	[sflag:s29] =	ssyncadd.s32 $0xFFFFD800  }
0x277: {  	[tilespmem:s24], [sflag:$0x3] =	stream.indirect.gather [hbm4b:s4+s22], $0x80, s12, s22, $0xb8;
	v63 =	vld [tilespmem:$0x0]  }
0x278: {  	_ =	swait.ge [sflag:s19], $0x2800  }
0x279: {  	[sflag:s19] =	ssyncset.done $0x0  }
0x27a: {  	s13 =	rddreg [dreg:$0x15];
	[sflag:s19] =	ssyncadd.s32 $0xFFFFD800  }
0x27b: {  	[spmem:s2] =	stream.indirect.scatter.add.f32 [tilespmem:s25], [sflag:$0x8], $0x80, s13, s22, $0xb8;
	v63 =	vld [tilespmem:$0x0]  }
0x27c: {  	_ =	swait.ge [sflag:s30], $0x2800  }
0x27d: {  	[sflag:s30] =	ssyncset.done $0x0  }
0x27e: {  	s14 =	rddreg [dreg:$0x16];
	[sflag:s30] =	ssyncadd.s32 $0xFFFFD800  }
0x27f: {  	[tilespmem:s25], [sflag:$0x4] =	stream.indirect.gather [hbm4b:s4+s22], $0x80, s14, s22, $0xb8;
	v63 =	vld [tilespmem:$0x0]  }
0x280: {  	_ =	swait.ge [sflag:s16], $0x2800  }
0x281: {  	[sflag:s16] =	ssyncset.done $0x0  }
0x282: {  	s12 =	rddreg [dreg:$0x17];
	[sflag:s16] =	ssyncadd.s32 $0xFFFFD800  }
0x283: {  	[spmem:s2] =	stream.indirect.scatter.add.f32 [tilespmem:s15], [sflag:$0x5], $0x80, s12, s22, $0xb8;
	v63 =	vld [tilespmem:$0x0]  }
0x284: {  	_ =	swait.ge [sflag:s26], $0x2800  }
0x285: {  	[sflag:s26] =	ssyncset.done $0x0  }
0x286: {  	s13 =	rddreg [dreg:$0x18];
	[sflag:s26] =	ssyncadd.s32 $0xFFFFD800  }
0x287: {  	[tilespmem:s15], [sflag:$0x1] =	stream.indirect.gather [hbm4b:s4+s22], $0x80, s13, s22, $0xb8;
	v63 =	vld [tilespmem:$0x0]  }
0x288: {  	_ =	swait.ge [sflag:s17], $0x2800  }
0x289: {  	[sflag:s17] =	ssyncset.done $0x0  }
0x28a: {  	s14 =	rddreg [dreg:$0x19];
	[sflag:s17] =	ssyncadd.s32 $0xFFFFD800  }
0x28b: {  	[spmem:s2] =	stream.indirect.scatter.add.f32 [tilespmem:s23], [sflag:$0x6], $0x80, s14, s22, $0xb8;
	v63 =	vld [tilespmem:$0x0]  }
0x28c: {  	_ =	swait.ge [sflag:s28], $0x2800  }
0x28d: {  	[sflag:s28] =	ssyncset.done $0x0  }
0x28e: {  	s12 =	rddreg [dreg:$0x1a];
	[sflag:s28] =	ssyncadd.s32 $0xFFFFD800  }
0x28f: {  	[tilespmem:s23], [sflag:$0x2] =	stream.indirect.gather [hbm4b:s4+s22], $0x80, s12, s22, $0xb8;
	v63 =	vld [tilespmem:$0x0]  }
0x290: {  	_ =	swait.ge [sflag:s18], $0x2800  }
0x291: {  	[sflag:s18] =	ssyncset.done $0x0  }
0x292: {  	s13 =	rddreg [dreg:$0x1b];
	[sflag:s18] =	ssyncadd.s32 $0xFFFFD800  }
0x293: {  	[spmem:s2] =	stream.indirect.scatter.add.f32 [tilespmem:s24], [sflag:$0x7], $0x80, s13, s22, $0xb8;
	v63 =	vld [tilespmem:$0x0]  }
0x294: {  	_ =	swait.ge [sflag:s29], $0x2800  }
0x295: {  	[sflag:s29] =	ssyncset.done $0x0  }
0x296: {  	s14 =	rddreg [dreg:$0x1c];
	[sflag:s29] =	ssyncadd.s32 $0xFFFFD800  }
0x297: {  	[tilespmem:s24], [sflag:$0x3] =	stream.indirect.gather [hbm4b:s4+s22], $0x80, s14, s22, $0xb8;
	v63 =	vld [tilespmem:$0x0]  }
0x298: {  	_ =	swait.ge [sflag:s19], $0x2800  }
0x299: {  	[sflag:s19] =	ssyncset.done $0x0  }
0x29a: {  	s12 =	rddreg [dreg:$0x1d];
	[sflag:s19] =	ssyncadd.s32 $0xFFFFD800  }
0x29b: {  	[spmem:s2] =	stream.indirect.scatter.add.f32 [tilespmem:s25], [sflag:$0x8], $0x80, s12, s22, $0xb8;
	v63 =	vld [tilespmem:$0x0]  }
0x29c: {  	_ =	swait.ge [sflag:s30], $0x2800  }
0x29d: {  	[sflag:s30] =	ssyncset.done $0x0  }
0x29e: {  	s13 =	rddreg [dreg:$0x1e];
	[sflag:s30] =	ssyncadd.s32 $0xFFFFD800  }
0x29f: {  	[tilespmem:s25], [sflag:$0x4] =	stream.indirect.gather [hbm4b:s4+s22], $0x80, s13, s22, $0xb8;
	v63 =	vld [tilespmem:$0x0]  }
0x2a0: {  	_ =	swait.ge [sflag:s16], $0x2800  }
0x2a1: {  	[sflag:s16] =	ssyncset.done $0x0  }
0x2a2: {  	s14 =	rddreg [dreg:$0x1f];
	[sflag:s16] =	ssyncadd.s32 $0xFFFFD800  }
0x2a3: {  	[spmem:s2] =	stream.indirect.scatter.add.f32 [tilespmem:s15], [sflag:$0x5], $0x80, s14, s22, $0xb8;
	v63 =	vld [tilespmem:$0x0]  }
0x2a4: {  	_ =	swait.ge [sflag:s26], $0x2800  }
0x2a5: {  	s12 =	sld [smem:$0x7F0]  }
0x2a6: {  	[sflag:s26] =	ssyncset.done $0x0  }
0x2a7: {  	[sflag:s26] =	ssyncadd.s32 $0xFFFFD800  }
0x2a8: {  	[tilespmem:s15], [sflag:$0x1] =	stream.indirect.gather [hbm4b:s4+s22], $0x80, s12, s22, $0xb8;
	v63 =	vld [tilespmem:$0x0]  }
0x2a9: {  	_ =	swait.ge [sflag:s17], $0x2800  }
0x2aa: {  	s13 =	sld [smem:$0x7F2]  }
0x2ab: {  	[sflag:s17] =	ssyncset.done $0x0  }
0x2ac: {  	[sflag:s17] =	ssyncadd.s32 $0xFFFFD800  }
0x2ad: {  	[spmem:s2] =	stream.indirect.scatter.add.f32 [tilespmem:s23], [sflag:$0x6], $0x80, s13, s22, $0xb8;
	v63 =	vld [tilespmem:$0x0]  }
0x2ae: {  	_ =	swait.ge [sflag:s28], $0x2800  }
0x2af: {  	s14 =	sld [smem:$0x7F4]  }
0x2b0: {  	[sflag:s28] =	ssyncset.done $0x0  }
0x2b1: {  	[sflag:s28] =	ssyncadd.s32 $0xFFFFD800  }
0x2b2: {  	[tilespmem:s23], [sflag:$0x2] =	stream.indirect.gather [hbm4b:s4+s22], $0x80, s14, s22, $0xb8;
	v63 =	vld [tilespmem:$0x0]  }
0x2b3: {  	_ =	swait.ge [sflag:s18], $0x2800  }
0x2b4: {  	s12 =	sld [smem:$0x7F5]  }
0x2b5: {  	[sflag:s18] =	ssyncset.done $0x0  }
0x2b6: {  	[sflag:s18] =	ssyncadd.s32 $0xFFFFD800  }
0x2b7: {  	[spmem:s2] =	stream.indirect.scatter.add.f32 [tilespmem:s24], [sflag:$0x7], $0x80, s12, s22, $0xb8;
	v63 =	vld [tilespmem:$0x0]  }
0x2b8: {  	_ =	swait.ge [sflag:s29], $0x2800  }
0x2b9: {  	s13 =	sld [smem:$0x7F6]  }
0x2ba: {  	[sflag:s29] =	ssyncset.done $0x0  }
0x2bb: {  	[sflag:s29] =	ssyncadd.s32 $0xFFFFD800  }
0x2bc: {  	[tilespmem:s24], [sflag:$0x3] =	stream.indirect.gather [hbm4b:s4+s22], $0x80, s13, s22, $0xb8;
	v63 =	vld [tilespmem:$0x0]  }
0x2bd: {  	_ =	swait.ge [sflag:s19], $0x2800  }
0x2be: {  	s14 =	sld [smem:$0x7F7]  }
0x2bf: {  	[sflag:s19] =	ssyncset.done $0x0  }
0x2c0: {  	[sflag:s19] =	ssyncadd.s32 $0xFFFFD800  }
0x2c1: {  	[spmem:s2] =	stream.indirect.scatter.add.f32 [tilespmem:s25], [sflag:$0x8], $0x80, s14, s22, $0xb8;
	v63 =	vld [tilespmem:$0x0]  }
0x2c2: {  	_ =	swait.ge [sflag:s30], $0x2800  }
0x2c3: {  	s12 =	sld [smem:$0x7F8]  }
0x2c4: {  	[sflag:s30] =	ssyncset.done $0x0  }
0x2c5: {  	[sflag:s30] =	ssyncadd.s32 $0xFFFFD800  }
0x2c6: {  	[tilespmem:s25], [sflag:$0x4] =	stream.indirect.gather [hbm4b:s4+s22], $0x80, s12, s22, $0xb8;
	v63 =	vld [tilespmem:$0x0]  }
0x2c7: {  	_ =	swait.ge [sflag:s16], $0x2800  }
0x2c8: {  	s13 =	sld [smem:$0x7F9]  }
0x2c9: {  	[sflag:s16] =	ssyncset.done $0x0  }
0x2ca: {  	[sflag:s16] =	ssyncadd.s32 $0xFFFFD800  }
0x2cb: {  	[spmem:s2] =	stream.indirect.scatter.add.f32 [tilespmem:s15], [sflag:$0x5], $0x80, s13, s22, $0xb8;
	v63 =	vld [tilespmem:$0x0]  }
0x2cc: {  	_ =	swait.ge [sflag:s26], $0x2800  }
0x2cd: {  	s14 =	sld [smem:$0x7FA]  }
0x2ce: {  	[sflag:s26] =	ssyncset.done $0x0  }
0x2cf: {  	[sflag:s26] =	ssyncadd.s32 $0xFFFFD800  }
0x2d0: {  	[tilespmem:s15], [sflag:$0x1] =	stream.indirect.gather [hbm4b:s4+s22], $0x80, s14, s22, $0xb8;
	v63 =	vld [tilespmem:$0x0]  }
0x2d1: {  	_ =	swait.ge [sflag:s17], $0x2800  }
0x2d2: {  	s12 =	sld [smem:$0x7FB]  }
0x2d3: {  	[sflag:s17] =	ssyncset.done $0x0  }
0x2d4: {  	[sflag:s17] =	ssyncadd.s32 $0xFFFFD800  }
0x2d5: {  	[spmem:s2] =	stream.indirect.scatter.add.f32 [tilespmem:s23], [sflag:$0x6], $0x80, s12, s22, $0xb8;
	v63 =	vld [tilespmem:$0x0]  }
0x2d6: {  	_ =	swait.ge [sflag:s28], $0x2800  }
0x2d7: {  	s13 =	sld [smem:$0x7FC]  }
0x2d8: {  	[sflag:s28] =	ssyncset.done $0x0  }
0x2d9: {  	[sflag:s28] =	ssyncadd.s32 $0xFFFFD800  }
0x2da: {  	[tilespmem:s23], [sflag:$0x2] =	stream.indirect.gather [hbm4b:s4+s22], $0x80, s13, s22, $0xb8;
	v63 =	vld [tilespmem:$0x0]  }
0x2db: {  	_ =	swait.ge [sflag:s18], $0x2800  }
0x2dc: {  	s14 =	sld [smem:$0x7FD]  }
0x2dd: {  	[sflag:s18] =	ssyncset.done $0x0  }
0x2de: {  	[sflag:s18] =	ssyncadd.s32 $0xFFFFD800  }
0x2df: {  	[spmem:s2] =	stream.indirect.scatter.add.f32 [tilespmem:s24], [sflag:$0x7], $0x80, s14, s22, $0xb8;
	v63 =	vld [tilespmem:$0x0]  }
0x2e0: {  	_ =	swait.ge [sflag:s29], $0x2800  }
0x2e1: {  	[sflag:s29] =	ssyncset.done $0x0  }
0x2e2: {  	[sflag:s29] =	ssyncadd.s32 $0xFFFFD800  }
0x2e3: {  	[tilespmem:s24], [sflag:$0x3] =	stream.indirect.gather [hbm4b:s4+s22], $0x80, s31, s22, $0xb8;
	v63 =	vld [tilespmem:$0x0]  }
0x2e4: {  	_ =	swait.ge [sflag:s19], $0x2800  }
0x2e5: {  	[sflag:s19] =	ssyncset.done $0x0  }
0x2e6: {  	[sflag:s19] =	ssyncadd.s32 $0xFFFFD800  }
0x2e7: {  	[spmem:s2] =	stream.indirect.scatter.add.f32 [tilespmem:s25], [sflag:$0x8], $0x80, s1, s22, $0xb8;
	v63 =	vld [tilespmem:$0x0]  }
0x2e8: {  	_ =	swait.ge [sflag:s30], $0x2800  }
0x2e9: {  	[sflag:s30] =	ssyncset.done $0x0  }
0x2ea: {  	[sflag:s30] =	ssyncadd.s32 $0xFFFFD800  }
0x2eb: {  	[tilespmem:s25], [sflag:$0x4] =	stream.indirect.gather [hbm4b:s4+s22], $0x80, s0, s22, $0xb8;
	v63 =	vld [tilespmem:$0x0]  }
0x2ec: {  	_ =	swait.ge [sflag:s16], $0x2800  }
0x2ed: {  	[sflag:s16] =	ssyncset.done $0x0  }
0x2ee: {  	[sflag:s16] =	ssyncadd.s32 $0xFFFFD800  }
0x2ef: {  	[spmem:s2] =	stream.indirect.scatter.add.f32 [tilespmem:s15], [sflag:$0x5], $0x80, s6, s22, $0xb8;
	v63 =	vld [tilespmem:$0x0]  }
0x2f0: {  	_ =	swait.ge [sflag:s26], $0x2800  }
0x2f1: {  	[sflag:s26] =	ssyncset.done $0x0  }
0x2f2: {  	[sflag:s26] =	ssyncadd.s32 $0xFFFFD800  }
0x2f3: {  	[tilespmem:s15], [sflag:$0x1] =	stream.indirect.gather [hbm4b:s4+s22], $0x80, s7, s22, $0xb8;
	v63 =	vld [tilespmem:$0x0]  }
0x2f4: {  	_ =	swait.ge [sflag:s17], $0x2800  }
0x2f5: {  	[sflag:s17] =	ssyncset.done $0x0  }
0x2f6: {  	[sflag:s17] =	ssyncadd.s32 $0xFFFFD800  }
0x2f7: {  	[spmem:s2] =	stream.indirect.scatter.add.f32 [tilespmem:s23], [sflag:$0x6], $0x80, s8, s22, $0xb8;
	v63 =	vld [tilespmem:$0x0]  }
0x2f8: {  	_ =	swait.ge [sflag:s18], $0x2800  }
0x2f9: {  	[sflag:s18] =	ssyncset.done $0x0  }
0x2fa: {  	[sflag:s18] =	ssyncadd.s32 $0xFFFFD800  }
0x2fb: {  	[spmem:s2] =	stream.indirect.scatter.add.f32 [tilespmem:s24], [sflag:$0x7], $0x80, s9, s22, $0xb8;
	v63 =	vld [tilespmem:$0x0]  }
0x2fc: {  	_ =	swait.ge [sflag:s19], $0x2800  }
0x2fd: {  	[sflag:s19] =	ssyncset.done $0x0  }
0x2fe: {  	[sflag:s19] =	ssyncadd.s32 $0xFFFFD800  }
0x2ff: {  	[spmem:s2] =	stream.indirect.scatter.add.f32 [tilespmem:s25], [sflag:$0x8], $0x80, s10, s22, $0xb8;
	v63 =	vld [tilespmem:$0x0]  }
0x300: {  	_ =	swait.ge [sflag:s16], $0x2800  }
0x301: {  	[sflag:s16] =	ssyncset.done $0x0  }
0x302: {  	[sflag:s16] =	ssyncadd.s32 $0xFFFFD800  }
0x303: {  	[spmem:s2] =	stream.indirect.scatter.add.f32 [tilespmem:s15], [sflag:$0x5], $0x80, s11, s22, $0xb8;
	v63 =	vld [tilespmem:$0x0]  }
0x304: {  	_ =	swait.ge [sflag:s28], $0x2800  }
0x305: {  	[sflag:s28] =	ssyncset.done $0x0  }
0x306: {  	[sflag:s28] =	ssyncadd.s32 $0xFFFFD800  }
0x307: {  	_ =	swait.ge [sflag:s29], $0x2800  }
0x308: {  	[sflag:s29] =	ssyncset.done $0x0  }
0x309: {  	[sflag:s29] =	ssyncadd.s32 $0xFFFFD800  }
0x30a: {  	_ =	swait.ge [sflag:s30], $0x2800  }
0x30b: {  	[sflag:s30] =	ssyncset.done $0x0  }
0x30c: {  	[sflag:s30] =	ssyncadd.s32 $0xFFFFD800  }
0x30d: {  	_ =	swait.ge [sflag:s26], $0x2800  }
0x30e: {  	[sflag:s26] =	ssyncset.done $0x0  }
0x30f: {  	[sflag:s26] =	ssyncadd.s32 $0xFFFFD800  }
0x310: {  	[bflag:$0x0] =	sbarrier.arrive $0xFFFF  }
0x311: {  	s13 =	sld [smem:$0x7EE]  }
0x312: {  	s12 =	stileid.u32;
	s14 =	sld [smem:$0x7F1]  }
0x313: {  	s5 =	sshll.u32 s12, $0x6  }
0x314: {  	s5 =	sor.u32 $0x1C09, s5;
	s12 =	sshrl.u32 s13, $0x3  }
0x315: {  	[hbm:s14], [sflag:s5] =	dma.local [spmem:s12], $0x2800  }
0x316: {  	_ =	swait.ge [sflag:s20], $0x2800  }
0x317: {  	s13 =	sld [smem:$0x7E7]  }
0x318: {  	s14 =	sld [smem:$0x7F3];
	_ =	sdelay $0x1  }
0x319: {  	s12 =	sadd.s32 $0x1, s13  }
0x31a: {  	p0 =	sne.s32 s12, s14  }
.Ltmp2:
0x31b: {  	_ = 	snop;
	(pc) =	sbr.rel @p0 .LBB2_1-.Ltmp2, $3  }
0x31c: {  	_ =	sdelay $0x1  }
0x31d: {  	[sflag:s20] =	ssyncset.done $0x0  }
0x31e: {  	[sflag:s20] =	ssyncadd.s32 $0xFFFFD800  }
0x31f: {  	_ =	sfence.sel $0x180000  }
0x320: {  	[bflag:$0x0] =	sbarrier.arrive $0xFFFF  }
0x321: {  	_ =	strace $0x90000047  }
0x322: {  	s0 =	stileid.u32;
	[bflag:$0x2] =	sbarrier.arrive $0xFFFF  }
0x323: {  	p0 =	sne.s32 s0, $0x0;
	s0 =	rddreg [dreg:$0x2]  }
0x324: {  	s0 =	sadd.s32 @!p0 $0x100000, s0  }
0x325: {  	[sflag:s0] =	ssyncadd.tile.s32 @!p0 $0x1;
	_ =	shalt  }
.Lfunc_end2:
_tile_overlayer_lowered:
.L_overlay_start_2:
0x326: {  	(tag) =	ssettag $0x2  }
0x327: {  	s0 =	rddreg [dreg:$0x0];
	s2 =	stileid.u32  }
0x328: {  	s1 =	rddreg [dreg:$0x1];
	p0 =	sne.s32 s2, $0x0  }
0x329: {  	s3 =	rddreg [dreg:$0x2];
	[bflag:$0x3] =	sbarrier.arrive $0xFFFF;
	s2 =	simm.s32 @!p0 $0x1C09  }
0x32a: {  	[timem:s3], [sflag:s2] =	dma.local @!p0 [hbm:s0], s1  }
0x32b: {  	s0 =	simm.s32 @!p0 $0x9  }
0x32c: {  	_ =	swait.ge @!p0 [sflag:s0], s1  }
0x32d: {  	s1 =	ssub.s32 @!p0 $0x0, s1;
	[sflag:s0] =	ssyncset.done @!p0 $0x0  }
0x32e: {  	[sflag:s0] =	ssyncadd.s32 @!p0 s1  }
0x32f: {  	[bflag:$0x3] =	sbarrier.arrive $0xFFFF  }
0x330: {  	_ =	shalt  }

</sc_bundles>
